<compile_context>
chip_gen: v7x
topology: tpu7x:2x2x1
jax: 0.10.2.dev20260603
libtpu: 0.0.44.dev20260713+nightly
codegen_flags: <defaults>
</compile_context>

<pallas_src>
import functools

import jax
import jax.numpy as jnp
from jax import lax
from jax.experimental import pallas as pl
from jax.experimental.pallas import tpu as pltpu
from jax.experimental.pallas import tpu_sc as plsc

NUM_K = 8
NUM_LABELS = 100
QB = 1024
KB = 2048
KPAD = 100352
NSTEPS = KPAD // KB

_NEG_INF = float("-inf")
_IMAX = 2**31 - 1


def _topk_body(x2_ref, qnorm_ref, tT_ref, knorm_ref, vals_ref, idxs_ref,
               c_ref):
    t = pl.program_id(0)

    @pl.when(t == 0)
    def _init():
        vals_ref[...] = jnp.full((QB, NUM_K), _NEG_INF, jnp.float32)
        idxs_ref[...] = jnp.full((QB, NUM_K), _IMAX, jnp.int32)

    cross2 = jnp.dot(x2_ref[...], tT_ref[...],
                     preferred_element_type=jnp.float32)
    s = cross2 - jnp.sqrt(qnorm_ref[...] + knorm_ref[0])
    col = lax.broadcasted_iota(jnp.int32, (QB, KB), 1)

    def _insert(m, im):
        v8 = vals_ref[...]
        i8 = idxs_ref[...]
        ge = (v8 > m) | ((v8 == m) & (i8 < im))
        r = jnp.sum(ge.astype(jnp.int32), axis=1, keepdims=True)
        pos = lax.broadcasted_iota(jnp.int32, (QB, NUM_K), 1)
        vsh = jnp.concatenate([m, v8[:, :NUM_K - 1]], axis=1)
        ish = jnp.concatenate([im, i8[:, :NUM_K - 1]], axis=1)
        vals_ref[...] = jnp.where(pos < r, v8, jnp.where(pos == r, m, vsh))
        idxs_ref[...] = jnp.where(pos < r, i8, jnp.where(pos == r, im, ish))

    def _extract(c, m):
        il = jnp.min(jnp.where(c == m, col, _IMAX), axis=1, keepdims=True)
        cn = jnp.where(col == il, _NEG_INF, c)
        c_ref[...] = cn
        m2 = jnp.max(cn, axis=1, keepdims=True)
        _insert(m, il + t * KB)
        go2 = jnp.any(m2 > vals_ref[:, NUM_K - 1:])
        return go2, m2

    m0 = jnp.max(s, axis=1, keepdims=True)
    carry0 = _extract(s, m0)

    def _cond(carry):
        go, _ = carry
        return go

    def _body(carry):
        _, m = carry
        return _extract(c_ref[...], m)

    lax.while_loop(_cond, _body, carry0)


def _topk(x, qnorm, tT, knorm3):
    return pl.pallas_call(
        _topk_body,
        grid=(NSTEPS,),
        in_specs=[
            pl.BlockSpec((QB, 16), lambda t: (0, 0)),
            pl.BlockSpec((QB, 1), lambda t: (0, 0)),
            pl.BlockSpec((16, KB), lambda t: (0, t)),
            pl.BlockSpec((1, 1, KB), lambda t: (t, 0, 0)),
        ],
        out_specs=[
            pl.BlockSpec((QB, NUM_K), lambda t: (0, 0)),
            pl.BlockSpec((QB, NUM_K), lambda t: (0, 0)),
        ],
        out_shape=[
            jax.ShapeDtypeStruct((QB, NUM_K), jnp.float32),
            jax.ShapeDtypeStruct((QB, NUM_K), jnp.int32),
        ],
        scratch_shapes=[pltpu.VMEM((QB, KB), jnp.float32)],
        compiler_params=pltpu.CompilerParams(
            dimension_semantics=("arbitrary",),
        ),
    )(x, qnorm, tT, knorm3)


_NC, _NS, _L = 2, 16, 16
_NW = _NC * _NS
_CPW = QB // _NW
_LPAD = 100352


def _label_onehot_body(labels_hbm, idx_hbm, zeros_hbm, out_hbm,
                       shared_v, labels_v, idx_v, out_v):
    sid = lax.axis_index("s")
    wid = sid * _NC + lax.axis_index("c")
    base = wid * _CPW

    @pl.when(sid == 0)
    def _stage():
        pltpu.sync_copy(labels_hbm, shared_v)

    plsc.subcore_barrier()
    pltpu.sync_copy(shared_v, labels_v)
    for m in range(NUM_K):
        pltpu.sync_copy(idx_hbm.at[pl.ds(m * QB + base, _CPW)], idx_v.at[m])
    pltpu.sync_copy(zeros_hbm.at[pl.ds(base, _CPW)], out_v)
    lane = lax.iota(jnp.int32, _L)
    ones = jnp.full((_L,), 1.0, jnp.float32)
    for chunk in range(_CPW // _L):
        acc = jnp.zeros((_L,), jnp.int32)
        for m in range(NUM_K):
            iv = idx_v[m, pl.ds(chunk * _L, _L)]
            acc = acc + plsc.load_gather(labels_v, [iv])
        val = lax.shift_right_arithmetic(acc, 3)
        rows = chunk * _L + lane
        plsc.store_scatter(out_v, [rows, val], ones)
    pltpu.sync_copy(out_v, out_hbm.at[pl.ds(base, _CPW)])


def _label_onehot(labels, idx_flat, zeros):
    return pl.kernel(
        _label_onehot_body,
        out_type=jax.ShapeDtypeStruct((QB, NUM_LABELS), jnp.float32),
        mesh=plsc.VectorSubcoreMesh(core_axis_name="c", subcore_axis_name="s"),
        compiler_params=pltpu.CompilerParams(needs_layout_passes=False),
        scratch_types=[
            pltpu.VMEM_SHARED((_LPAD,), jnp.int32),
            pltpu.VMEM((_LPAD,), jnp.int32),
            pltpu.VMEM((NUM_K, _CPW), jnp.int32),
            pltpu.VMEM((_CPW, NUM_LABELS), jnp.float32),
        ],
    )(labels, idx_flat, zeros)


def kernel(x_input, train_inputs, train_labels, features):
    weighted = jnp.multiply(features, train_inputs)
    qnorm = jnp.sum(jnp.square(x_input), axis=1)[:, None]
    knorm = jnp.sum(jnp.square(weighted), axis=1)
    knorm_p = jnp.pad(knorm, (0, KPAD - knorm.shape[0]),
                      constant_values=jnp.inf)
    knorm3 = knorm_p.reshape(NSTEPS, 1, KB)
    tT = jnp.pad(train_inputs, ((0, KPAD - train_inputs.shape[0]), (0, 0))).T

    vals, idxs = _topk(x_input + x_input, qnorm, tT, knorm3)

    labels_p = jnp.pad(train_labels, (0, _LPAD - train_labels.shape[0]))
    one_hot = _label_onehot(labels_p, idxs.reshape(-1),
                            jnp.zeros((QB, NUM_LABELS), jnp.float32))
    return one_hot, vals, idxs

# --- scband reference (transcript-rebuilt; emitter-appended) ---
"""Pipeline reference for scband-analogy-based-estimation-50002009260089 (READ-ONLY COPY).

The authoritative reference and input builder live on the scoring server;
editing this copy changes nothing except your own understanding.
"""

import jax, jax.numpy as jnp
import numpy as np

NUM_K = 8
NUM_LABELS = 100


def setup_inputs(seed: int = 0) -> dict:
    key = jax.random.key(seed)
    k1, k2, k3 = jax.random.split(key, 3)
    x_input = jax.random.normal(k1, (1024, 16), dtype=jnp.float32)
    train_inputs = jax.random.normal(k2, (100000, 16), dtype=jnp.float32)
    train_labels = jax.random.randint(k3, (100000,), 0, 100, dtype=jnp.int32)
    features = jnp.ones((16,), dtype=jnp.float32)  # non-trainable abe_features, ones init
    return {"x_input": x_input, "train_inputs": train_inputs,
            "train_labels": train_labels, "features": features}


def _l2_distance(batch_input, weighted_train, x_raw, train_raw):
    # Faithful to TF: left/right use squared norms of batch_input and the
    # *weighted* train inputs, but the cross term uses the RAW x_input and
    # RAW train_inputs (self.x_input / self.train_inputs in the original).
    Q = batch_input.shape[0]
    K = weighted_train.shape[0]
    left = jnp.matmul(jnp.sum(jnp.square(batch_input), axis=1)[:, None],
                      jnp.ones((1, K), dtype=batch_input.dtype))  # [Q, K]
    right = jnp.matmul(jnp.sum(jnp.square(weighted_train), axis=1).reshape(-1, 1),
                       jnp.transpose(jnp.ones((Q, 1), dtype=batch_input.dtype)))  # [K, Q]
    return jnp.sqrt(left + jnp.transpose(right)) - 2.0 * jnp.matmul(x_raw, jnp.transpose(train_raw))


def reference(x_input, train_inputs, train_labels, features):
    # weighted_inputs = features * train_inputs
    weighted_inputs = jnp.multiply(features, train_inputs)  # [K, d]
    distance = _l2_distance(x_input, weighted_inputs, x_input, train_inputs)  # [Q, K]
    # top_k over negated distance -> k nearest neighbors
    values, indices = jax.lax.top_k(jnp.negative(distance), NUM_K)  # [Q, k]
    # gather labels then reshape (NOT transpose) to [k, Q], as in the original
    labels = jnp.take(train_labels, indices, axis=0).reshape(NUM_K, x_input.shape[0])
    # tf.reduce_mean on integer dtype does floor (integer) division
    outputs = jnp.transpose(jnp.sum(labels, axis=0) // NUM_K)  # [Q]
    one_hot = jax.nn.one_hot(outputs, NUM_LABELS, dtype=jnp.float32)  # [Q, num_labels]
    return one_hot, values, indices

if __name__ == "__main__":
    import jax
    _d = setup_inputs()
    print(jax.jit(kernel)(*tuple(_d.values())))

</pallas_src>

<mosaic_0001>
#map = affine_map<(d0, d1) -> (0)>
#map1 = affine_map<(d0, d1) -> (0, 0)>
module attributes {stable_mosaic.version = 14 : i64} {
  func.func @_label_onehot_body(%arg0: i32, %arg1: i32, %arg2: memref<100352xi32, #tpu.memory_space<hbm>>, %arg3: memref<8192xi32, #tpu.memory_space<hbm>>, %arg4: memref<1024x100xf32, #tpu.memory_space<hbm>>, %arg5: memref<1024x100xf32, #tpu.memory_space<hbm>>, %arg6: memref<100352xi32, #tpu.memory_space<vmem_shared>>, %arg7: memref<100352xi32, #tpu.memory_space<vmem>>, %arg8: memref<8x32xi32, #tpu.memory_space<vmem>>, %arg9: memref<32x100xf32, #tpu.memory_space<vmem>>) attributes {dimension_semantics = [#tpu.dimension_semantics<core_parallel>, #tpu.dimension_semantics<subcore_parallel>], iteration_bounds = array<i64: 2, 16>, scalar_prefetch = 0 : i64, scratch_operands = 4 : i64, tpu.core_type = #tpu.core_type<sc_vector_subcore>, window_params = [{transform_indices = #map}, {transform_indices = #map}, {transform_indices = #map1}, {transform_indices = #map1}]} {
    %mul3A = arith.constant 2 : i32
    %mul3A_0 = arith.muli %arg1, %mul3A : i32
    %add3A = arith.addi %mul3A_0, %arg0 : i32
    %mul3A_1 = arith.constant 32 : i32
    %mul3A_2 = arith.muli %add3A, %mul3A_1 : i32
    %eq3A = arith.constant 0 : i32
    %eq3A_3 = arith.cmpi eq, %arg1, %eq3A : i32
    %convert_element_type3A = arith.extui %eq3A_3 : i1 to i32
    %cond3A = arith.constant 0 : i32
    %cond3A_4 = arith.cmpi ne, %convert_element_type3A, %cond3A : i32
    scf.if %cond3A_4 {
      "tpu.region"() ({
        %run_scoped3A_138 = tpu.sem_alloc : memref<!tpu.dma_semaphore, #tpu.memory_space<semaphore_mem>>
        tpu.enqueue_dma source(%arg2 : memref<100352xi32, #tpu.memory_space<hbm>>) target(%arg6 : memref<100352xi32, #tpu.memory_space<vmem_shared>>) target_semaphore(%run_scoped3A_138 : memref<!tpu.dma_semaphore, #tpu.memory_space<semaphore_mem>>)
        tpu.wait_dma2 semaphore(%run_scoped3A_138 : memref<!tpu.dma_semaphore, #tpu.memory_space<semaphore_mem>>) src(%arg2 : memref<100352xi32, #tpu.memory_space<hbm>>) dst(%arg6 : memref<100352xi32, #tpu.memory_space<vmem_shared>>)
        tpu.yield
      }) : () -> ()
    } else {
    }
    %barrier3A = arith.constant 0 : index
    tpu.barrier barrier_id(%barrier3A)
    "tpu.region"() ({
      %run_scoped3A_138 = tpu.sem_alloc : memref<!tpu.dma_semaphore, #tpu.memory_space<semaphore_mem>>
      tpu.enqueue_dma source(%arg6 : memref<100352xi32, #tpu.memory_space<vmem_shared>>) target(%arg7 : memref<100352xi32, #tpu.memory_space<vmem>>) target_semaphore(%run_scoped3A_138 : memref<!tpu.dma_semaphore, #tpu.memory_space<semaphore_mem>>)
      tpu.wait_dma2 semaphore(%run_scoped3A_138 : memref<!tpu.dma_semaphore, #tpu.memory_space<semaphore_mem>>) src(%arg6 : memref<100352xi32, #tpu.memory_space<vmem_shared>>) dst(%arg7 : memref<100352xi32, #tpu.memory_space<vmem>>)
      tpu.yield
    }) : () -> ()
    %add3A_5 = arith.constant 0 : i32
    %add3A_6 = arith.addi %add3A_5, %mul3A_2 : i32
    %run_scoped3A = arith.constant 0 : i32
    "tpu.region"() ({
      %run_scoped3A_138 = tpu.sem_alloc : memref<!tpu.dma_semaphore, #tpu.memory_space<semaphore_mem>>
      %dma_start3A = arith.constant 0 : i32
      %dma_start3A_139 = tpu.memref_slice %arg8[%run_scoped3A, %dma_start3A] : memref<8x32xi32, #tpu.memory_space<vmem>> -> memref<1x32xi32, #tpu.memory_space<vmem>>
      %dma_start3A_140 = tpu.memref_squeeze %dma_start3A_139 : memref<1x32xi32, #tpu.memory_space<vmem>> -> memref<32xi32, #tpu.memory_space<vmem>>
      %dma_start3A_141 = tpu.memref_slice %arg3[%add3A_6] : memref<8192xi32, #tpu.memory_space<hbm>> -> memref<32xi32, #tpu.memory_space<hbm>>
      %dma_start3A_142 = arith.constant 0 : i32
      %dma_start3A_143 = tpu.memref_slice %arg8[%run_scoped3A, %dma_start3A_142] : memref<8x32xi32, #tpu.memory_space<vmem>> -> memref<1x32xi32, #tpu.memory_space<vmem>>
      %dma_start3A_144 = tpu.memref_squeeze %dma_start3A_143 : memref<1x32xi32, #tpu.memory_space<vmem>> -> memref<32xi32, #tpu.memory_space<vmem>>
      %dma_start3A_145 = tpu.memref_slice %arg3[%add3A_6] : memref<8192xi32, #tpu.memory_space<hbm>> -> memref<32xi32, #tpu.memory_space<hbm>>
      tpu.enqueue_dma source(%dma_start3A_145 : memref<32xi32, #tpu.memory_space<hbm>>) target(%dma_start3A_144 : memref<32xi32, #tpu.memory_space<vmem>>) target_semaphore(%run_scoped3A_138 : memref<!tpu.dma_semaphore, #tpu.memory_space<semaphore_mem>>)
      %dma_wait3A = arith.constant 0 : i32
      %dma_wait3A_146 = tpu.memref_slice %arg8[%run_scoped3A, %dma_wait3A] : memref<8x32xi32, #tpu.memory_space<vmem>> -> memref<1x32xi32, #tpu.memory_space<vmem>>
      %dma_wait3A_147 = tpu.memref_squeeze %dma_wait3A_146 : memref<1x32xi32, #tpu.memory_space<vmem>> -> memref<32xi32, #tpu.memory_space<vmem>>
      %dma_wait3A_148 = tpu.memref_slice %arg3[%add3A_6] : memref<8192xi32, #tpu.memory_space<hbm>> -> memref<32xi32, #tpu.memory_space<hbm>>
      %dma_wait3A_149 = arith.constant 0 : i32
      %dma_wait3A_150 = tpu.memref_slice %arg8[%run_scoped3A, %dma_wait3A_149] : memref<8x32xi32, #tpu.memory_space<vmem>> -> memref<1x32xi32, #tpu.memory_space<vmem>>
      %dma_wait3A_151 = tpu.memref_squeeze %dma_wait3A_150 : memref<1x32xi32, #tpu.memory_space<vmem>> -> memref<32xi32, #tpu.memory_space<vmem>>
      %dma_wait3A_152 = tpu.memref_slice %arg3[%add3A_6] : memref<8192xi32, #tpu.memory_space<hbm>> -> memref<32xi32, #tpu.memory_space<hbm>>
      tpu.wait_dma2 semaphore(%run_scoped3A_138 : memref<!tpu.dma_semaphore, #tpu.memory_space<semaphore_mem>>) src(%dma_wait3A_152 : memref<32xi32, #tpu.memory_space<hbm>>) dst(%dma_wait3A_151 : memref<32xi32, #tpu.memory_space<vmem>>)
      tpu.yield
    }) : () -> ()
    %add3A_7 = arith.constant 1024 : i32
    %add3A_8 = arith.addi %add3A_7, %mul3A_2 : i32
    %run_scoped3A_9 = arith.constant 1 : i32
    "tpu.region"() ({
      %run_scoped3A_138 = tpu.sem_alloc : memref<!tpu.dma_semaphore, #tpu.memory_space<semaphore_mem>>
      %dma_start3A = arith.constant 0 : i32
      %dma_start3A_139 = tpu.memref_slice %arg8[%run_scoped3A_9, %dma_start3A] : memref<8x32xi32, #tpu.memory_space<vmem>> -> memref<1x32xi32, #tpu.memory_space<vmem>>
      %dma_start3A_140 = tpu.memref_squeeze %dma_start3A_139 : memref<1x32xi32, #tpu.memory_space<vmem>> -> memref<32xi32, #tpu.memory_space<vmem>>
      %dma_start3A_141 = tpu.memref_slice %arg3[%add3A_8] : memref<8192xi32, #tpu.memory_space<hbm>> -> memref<32xi32, #tpu.memory_space<hbm>>
      %dma_start3A_142 = arith.constant 0 : i32
      %dma_start3A_143 = tpu.memref_slice %arg8[%run_scoped3A_9, %dma_start3A_142] : memref<8x32xi32, #tpu.memory_space<vmem>> -> memref<1x32xi32, #tpu.memory_space<vmem>>
      %dma_start3A_144 = tpu.memref_squeeze %dma_start3A_143 : memref<1x32xi32, #tpu.memory_space<vmem>> -> memref<32xi32, #tpu.memory_space<vmem>>
      %dma_start3A_145 = tpu.memref_slice %arg3[%add3A_8] : memref<8192xi32, #tpu.memory_space<hbm>> -> memref<32xi32, #tpu.memory_space<hbm>>
      tpu.enqueue_dma source(%dma_start3A_145 : memref<32xi32, #tpu.memory_space<hbm>>) target(%dma_start3A_144 : memref<32xi32, #tpu.memory_space<vmem>>) target_semaphore(%run_scoped3A_138 : memref<!tpu.dma_semaphore, #tpu.memory_space<semaphore_mem>>)
      %dma_wait3A = arith.constant 0 : i32
      %dma_wait3A_146 = tpu.memref_slice %arg8[%run_scoped3A_9, %dma_wait3A] : memref<8x32xi32, #tpu.memory_space<vmem>> -> memref<1x32xi32, #tpu.memory_space<vmem>>
      %dma_wait3A_147 = tpu.memref_squeeze %dma_wait3A_146 : memref<1x32xi32, #tpu.memory_space<vmem>> -> memref<32xi32, #tpu.memory_space<vmem>>
      %dma_wait3A_148 = tpu.memref_slice %arg3[%add3A_8] : memref<8192xi32, #tpu.memory_space<hbm>> -> memref<32xi32, #tpu.memory_space<hbm>>
      %dma_wait3A_149 = arith.constant 0 : i32
      %dma_wait3A_150 = tpu.memref_slice %arg8[%run_scoped3A_9, %dma_wait3A_149] : memref<8x32xi32, #tpu.memory_space<vmem>> -> memref<1x32xi32, #tpu.memory_space<vmem>>
      %dma_wait3A_151 = tpu.memref_squeeze %dma_wait3A_150 : memref<1x32xi32, #tpu.memory_space<vmem>> -> memref<32xi32, #tpu.memory_space<vmem>>
      %dma_wait3A_152 = tpu.memref_slice %arg3[%add3A_8] : memref<8192xi32, #tpu.memory_space<hbm>> -> memref<32xi32, #tpu.memory_space<hbm>>
      tpu.wait_dma2 semaphore(%run_scoped3A_138 : memref<!tpu.dma_semaphore, #tpu.memory_space<semaphore_mem>>) src(%dma_wait3A_152 : memref<32xi32, #tpu.memory_space<hbm>>) dst(%dma_wait3A_151 : memref<32xi32, #tpu.memory_space<vmem>>)
      tpu.yield
    }) : () -> ()
    %add3A_10 = arith.constant 2048 : i32
    %add3A_11 = arith.addi %add3A_10, %mul3A_2 : i32
    %run_scoped3A_12 = arith.constant 2 : i32
    "tpu.region"() ({
      %run_scoped3A_138 = tpu.sem_alloc : memref<!tpu.dma_semaphore, #tpu.memory_space<semaphore_mem>>
      %dma_start3A = arith.constant 0 : i32
      %dma_start3A_139 = tpu.memref_slice %arg8[%run_scoped3A_12, %dma_start3A] : memref<8x32xi32, #tpu.memory_space<vmem>> -> memref<1x32xi32, #tpu.memory_space<vmem>>
      %dma_start3A_140 = tpu.memref_squeeze %dma_start3A_139 : memref<1x32xi32, #tpu.memory_space<vmem>> -> memref<32xi32, #tpu.memory_space<vmem>>
      %dma_start3A_141 = tpu.memref_slice %arg3[%add3A_11] : memref<8192xi32, #tpu.memory_space<hbm>> -> memref<32xi32, #tpu.memory_space<hbm>>
      %dma_start3A_142 = arith.constant 0 : i32
      %dma_start3A_143 = tpu.memref_slice %arg8[%run_scoped3A_12, %dma_start3A_142] : memref<8x32xi32, #tpu.memory_space<vmem>> -> memref<1x32xi32, #tpu.memory_space<vmem>>
      %dma_start3A_144 = tpu.memref_squeeze %dma_start3A_143 : memref<1x32xi32, #tpu.memory_space<vmem>> -> memref<32xi32, #tpu.memory_space<vmem>>
      %dma_start3A_145 = tpu.memref_slice %arg3[%add3A_11] : memref<8192xi32, #tpu.memory_space<hbm>> -> memref<32xi32, #tpu.memory_space<hbm>>
      tpu.enqueue_dma source(%dma_start3A_145 : memref<32xi32, #tpu.memory_space<hbm>>) target(%dma_start3A_144 : memref<32xi32, #tpu.memory_space<vmem>>) target_semaphore(%run_scoped3A_138 : memref<!tpu.dma_semaphore, #tpu.memory_space<semaphore_mem>>)
      %dma_wait3A = arith.constant 0 : i32
      %dma_wait3A_146 = tpu.memref_slice %arg8[%run_scoped3A_12, %dma_wait3A] : memref<8x32xi32, #tpu.memory_space<vmem>> -> memref<1x32xi32, #tpu.memory_space<vmem>>
      %dma_wait3A_147 = tpu.memref_squeeze %dma_wait3A_146 : memref<1x32xi32, #tpu.memory_space<vmem>> -> memref<32xi32, #tpu.memory_space<vmem>>
      %dma_wait3A_148 = tpu.memref_slice %arg3[%add3A_11] : memref<8192xi32, #tpu.memory_space<hbm>> -> memref<32xi32, #tpu.memory_space<hbm>>
      %dma_wait3A_149 = arith.constant 0 : i32
      %dma_wait3A_150 = tpu.memref_slice %arg8[%run_scoped3A_12, %dma_wait3A_149] : memref<8x32xi32, #tpu.memory_space<vmem>> -> memref<1x32xi32, #tpu.memory_space<vmem>>
      %dma_wait3A_151 = tpu.memref_squeeze %dma_wait3A_150 : memref<1x32xi32, #tpu.memory_space<vmem>> -> memref<32xi32, #tpu.memory_space<vmem>>
      %dma_wait3A_152 = tpu.memref_slice %arg3[%add3A_11] : memref<8192xi32, #tpu.memory_space<hbm>> -> memref<32xi32, #tpu.memory_space<hbm>>
      tpu.wait_dma2 semaphore(%run_scoped3A_138 : memref<!tpu.dma_semaphore, #tpu.memory_space<semaphore_mem>>) src(%dma_wait3A_152 : memref<32xi32, #tpu.memory_space<hbm>>) dst(%dma_wait3A_151 : memref<32xi32, #tpu.memory_space<vmem>>)
      tpu.yield
    }) : () -> ()
    %add3A_13 = arith.constant 3072 : i32
    %add3A_14 = arith.addi %add3A_13, %mul3A_2 : i32
    %run_scoped3A_15 = arith.constant 3 : i32
    "tpu.region"() ({
      %run_scoped3A_138 = tpu.sem_alloc : memref<!tpu.dma_semaphore, #tpu.memory_space<semaphore_mem>>
      %dma_start3A = arith.constant 0 : i32
      %dma_start3A_139 = tpu.memref_slice %arg8[%run_scoped3A_15, %dma_start3A] : memref<8x32xi32, #tpu.memory_space<vmem>> -> memref<1x32xi32, #tpu.memory_space<vmem>>
      %dma_start3A_140 = tpu.memref_squeeze %dma_start3A_139 : memref<1x32xi32, #tpu.memory_space<vmem>> -> memref<32xi32, #tpu.memory_space<vmem>>
      %dma_start3A_141 = tpu.memref_slice %arg3[%add3A_14] : memref<8192xi32, #tpu.memory_space<hbm>> -> memref<32xi32, #tpu.memory_space<hbm>>
      %dma_start3A_142 = arith.constant 0 : i32
      %dma_start3A_143 = tpu.memref_slice %arg8[%run_scoped3A_15, %dma_start3A_142] : memref<8x32xi32, #tpu.memory_space<vmem>> -> memref<1x32xi32, #tpu.memory_space<vmem>>
      %dma_start3A_144 = tpu.memref_squeeze %dma_start3A_143 : memref<1x32xi32, #tpu.memory_space<vmem>> -> memref<32xi32, #tpu.memory_space<vmem>>
      %dma_start3A_145 = tpu.memref_slice %arg3[%add3A_14] : memref<8192xi32, #tpu.memory_space<hbm>> -> memref<32xi32, #tpu.memory_space<hbm>>
      tpu.enqueue_dma source(%dma_start3A_145 : memref<32xi32, #tpu.memory_space<hbm>>) target(%dma_start3A_144 : memref<32xi32, #tpu.memory_space<vmem>>) target_semaphore(%run_scoped3A_138 : memref<!tpu.dma_semaphore, #tpu.memory_space<semaphore_mem>>)
      %dma_wait3A = arith.constant 0 : i32
      %dma_wait3A_146 = tpu.memref_slice %arg8[%run_scoped3A_15, %dma_wait3A] : memref<8x32xi32, #tpu.memory_space<vmem>> -> memref<1x32xi32, #tpu.memory_space<vmem>>
      %dma_wait3A_147 = tpu.memref_squeeze %dma_wait3A_146 : memref<1x32xi32, #tpu.memory_space<vmem>> -> memref<32xi32, #tpu.memory_space<vmem>>
      %dma_wait3A_148 = tpu.memref_slice %arg3[%add3A_14] : memref<8192xi32, #tpu.memory_space<hbm>> -> memref<32xi32, #tpu.memory_space<hbm>>
      %dma_wait3A_149 = arith.constant 0 : i32
      %dma_wait3A_150 = tpu.memref_slice %arg8[%run_scoped3A_15, %dma_wait3A_149] : memref<8x32xi32, #tpu.memory_space<vmem>> -> memref<1x32xi32, #tpu.memory_space<vmem>>
      %dma_wait3A_151 = tpu.memref_squeeze %dma_wait3A_150 : memref<1x32xi32, #tpu.memory_space<vmem>> -> memref<32xi32, #tpu.memory_space<vmem>>
      %dma_wait3A_152 = tpu.memref_slice %arg3[%add3A_14] : memref<8192xi32, #tpu.memory_space<hbm>> -> memref<32xi32, #tpu.memory_space<hbm>>
      tpu.wait_dma2 semaphore(%run_scoped3A_138 : memref<!tpu.dma_semaphore, #tpu.memory_space<semaphore_mem>>) src(%dma_wait3A_152 : memref<32xi32, #tpu.memory_space<hbm>>) dst(%dma_wait3A_151 : memref<32xi32, #tpu.memory_space<vmem>>)
      tpu.yield
    }) : () -> ()
    %add3A_16 = arith.constant 4096 : i32
    %add3A_17 = arith.addi %add3A_16, %mul3A_2 : i32
    %run_scoped3A_18 = arith.constant 4 : i32
    "tpu.region"() ({
      %run_scoped3A_138 = tpu.sem_alloc : memref<!tpu.dma_semaphore, #tpu.memory_space<semaphore_mem>>
      %dma_start3A = arith.constant 0 : i32
      %dma_start3A_139 = tpu.memref_slice %arg8[%run_scoped3A_18, %dma_start3A] : memref<8x32xi32, #tpu.memory_space<vmem>> -> memref<1x32xi32, #tpu.memory_space<vmem>>
      %dma_start3A_140 = tpu.memref_squeeze %dma_start3A_139 : memref<1x32xi32, #tpu.memory_space<vmem>> -> memref<32xi32, #tpu.memory_space<vmem>>
      %dma_start3A_141 = tpu.memref_slice %arg3[%add3A_17] : memref<8192xi32, #tpu.memory_space<hbm>> -> memref<32xi32, #tpu.memory_space<hbm>>
      %dma_start3A_142 = arith.constant 0 : i32
      %dma_start3A_143 = tpu.memref_slice %arg8[%run_scoped3A_18, %dma_start3A_142] : memref<8x32xi32, #tpu.memory_space<vmem>> -> memref<1x32xi32, #tpu.memory_space<vmem>>
      %dma_start3A_144 = tpu.memref_squeeze %dma_start3A_143 : memref<1x32xi32, #tpu.memory_space<vmem>> -> memref<32xi32, #tpu.memory_space<vmem>>
      %dma_start3A_145 = tpu.memref_slice %arg3[%add3A_17] : memref<8192xi32, #tpu.memory_space<hbm>> -> memref<32xi32, #tpu.memory_space<hbm>>
      tpu.enqueue_dma source(%dma_start3A_145 : memref<32xi32, #tpu.memory_space<hbm>>) target(%dma_start3A_144 : memref<32xi32, #tpu.memory_space<vmem>>) target_semaphore(%run_scoped3A_138 : memref<!tpu.dma_semaphore, #tpu.memory_space<semaphore_mem>>)
      %dma_wait3A = arith.constant 0 : i32
      %dma_wait3A_146 = tpu.memref_slice %arg8[%run_scoped3A_18, %dma_wait3A] : memref<8x32xi32, #tpu.memory_space<vmem>> -> memref<1x32xi32, #tpu.memory_space<vmem>>
      %dma_wait3A_147 = tpu.memref_squeeze %dma_wait3A_146 : memref<1x32xi32, #tpu.memory_space<vmem>> -> memref<32xi32, #tpu.memory_space<vmem>>
      %dma_wait3A_148 = tpu.memref_slice %arg3[%add3A_17] : memref<8192xi32, #tpu.memory_space<hbm>> -> memref<32xi32, #tpu.memory_space<hbm>>
      %dma_wait3A_149 = arith.constant 0 : i32
      %dma_wait3A_150 = tpu.memref_slice %arg8[%run_scoped3A_18, %dma_wait3A_149] : memref<8x32xi32, #tpu.memory_space<vmem>> -> memref<1x32xi32, #tpu.memory_space<vmem>>
      %dma_wait3A_151 = tpu.memref_squeeze %dma_wait3A_150 : memref<1x32xi32, #tpu.memory_space<vmem>> -> memref<32xi32, #tpu.memory_space<vmem>>
      %dma_wait3A_152 = tpu.memref_slice %arg3[%add3A_17] : memref<8192xi32, #tpu.memory_space<hbm>> -> memref<32xi32, #tpu.memory_space<hbm>>
      tpu.wait_dma2 semaphore(%run_scoped3A_138 : memref<!tpu.dma_semaphore, #tpu.memory_space<semaphore_mem>>) src(%dma_wait3A_152 : memref<32xi32, #tpu.memory_space<hbm>>) dst(%dma_wait3A_151 : memref<32xi32, #tpu.memory_space<vmem>>)
      tpu.yield
    }) : () -> ()
    %add3A_19 = arith.constant 5120 : i32
    %add3A_20 = arith.addi %add3A_19, %mul3A_2 : i32
    %run_scoped3A_21 = arith.constant 5 : i32
    "tpu.region"() ({
      %run_scoped3A_138 = tpu.sem_alloc : memref<!tpu.dma_semaphore, #tpu.memory_space<semaphore_mem>>
      %dma_start3A = arith.constant 0 : i32
      %dma_start3A_139 = tpu.memref_slice %arg8[%run_scoped3A_21, %dma_start3A] : memref<8x32xi32, #tpu.memory_space<vmem>> -> memref<1x32xi32, #tpu.memory_space<vmem>>
      %dma_start3A_140 = tpu.memref_squeeze %dma_start3A_139 : memref<1x32xi32, #tpu.memory_space<vmem>> -> memref<32xi32, #tpu.memory_space<vmem>>
      %dma_start3A_141 = tpu.memref_slice %arg3[%add3A_20] : memref<8192xi32, #tpu.memory_space<hbm>> -> memref<32xi32, #tpu.memory_space<hbm>>
      %dma_start3A_142 = arith.constant 0 : i32
      %dma_start3A_143 = tpu.memref_slice %arg8[%run_scoped3A_21, %dma_start3A_142] : memref<8x32xi32, #tpu.memory_space<vmem>> -> memref<1x32xi32, #tpu.memory_space<vmem>>
      %dma_start3A_144 = tpu.memref_squeeze %dma_start3A_143 : memref<1x32xi32, #tpu.memory_space<vmem>> -> memref<32xi32, #tpu.memory_space<vmem>>
      %dma_start3A_145 = tpu.memref_slice %arg3[%add3A_20] : memref<8192xi32, #tpu.memory_space<hbm>> -> memref<32xi32, #tpu.memory_space<hbm>>
      tpu.enqueue_dma source(%dma_start3A_145 : memref<32xi32, #tpu.memory_space<hbm>>) target(%dma_start3A_144 : memref<32xi32, #tpu.memory_space<vmem>>) target_semaphore(%run_scoped3A_138 : memref<!tpu.dma_semaphore, #tpu.memory_space<semaphore_mem>>)
      %dma_wait3A = arith.constant 0 : i32
      %dma_wait3A_146 = tpu.memref_slice %arg8[%run_scoped3A_21, %dma_wait3A] : memref<8x32xi32, #tpu.memory_space<vmem>> -> memref<1x32xi32, #tpu.memory_space<vmem>>
      %dma_wait3A_147 = tpu.memref_squeeze %dma_wait3A_146 : memref<1x32xi32, #tpu.memory_space<vmem>> -> memref<32xi32, #tpu.memory_space<vmem>>
      %dma_wait3A_148 = tpu.memref_slice %arg3[%add3A_20] : memref<8192xi32, #tpu.memory_space<hbm>> -> memref<32xi32, #tpu.memory_space<hbm>>
      %dma_wait3A_149 = arith.constant 0 : i32
      %dma_wait3A_150 = tpu.memref_slice %arg8[%run_scoped3A_21, %dma_wait3A_149] : memref<8x32xi32, #tpu.memory_space<vmem>> -> memref<1x32xi32, #tpu.memory_space<vmem>>
      %dma_wait3A_151 = tpu.memref_squeeze %dma_wait3A_150 : memref<1x32xi32, #tpu.memory_space<vmem>> -> memref<32xi32, #tpu.memory_space<vmem>>
      %dma_wait3A_152 = tpu.memref_slice %arg3[%add3A_20] : memref<8192xi32, #tpu.memory_space<hbm>> -> memref<32xi32, #tpu.memory_space<hbm>>
      tpu.wait_dma2 semaphore(%run_scoped3A_138 : memref<!tpu.dma_semaphore, #tpu.memory_space<semaphore_mem>>) src(%dma_wait3A_152 : memref<32xi32, #tpu.memory_space<hbm>>) dst(%dma_wait3A_151 : memref<32xi32, #tpu.memory_space<vmem>>)
      tpu.yield
    }) : () -> ()
    %add3A_22 = arith.constant 6144 : i32
    %add3A_23 = arith.addi %add3A_22, %mul3A_2 : i32
    %run_scoped3A_24 = arith.constant 6 : i32
    "tpu.region"() ({
      %run_scoped3A_138 = tpu.sem_alloc : memref<!tpu.dma_semaphore, #tpu.memory_space<semaphore_mem>>
      %dma_start3A = arith.constant 0 : i32
      %dma_start3A_139 = tpu.memref_slice %arg8[%run_scoped3A_24, %dma_start3A] : memref<8x32xi32, #tpu.memory_space<vmem>> -> memref<1x32xi32, #tpu.memory_space<vmem>>
      %dma_start3A_140 = tpu.memref_squeeze %dma_start3A_139 : memref<1x32xi32, #tpu.memory_space<vmem>> -> memref<32xi32, #tpu.memory_space<vmem>>
      %dma_start3A_141 = tpu.memref_slice %arg3[%add3A_23] : memref<8192xi32, #tpu.memory_space<hbm>> -> memref<32xi32, #tpu.memory_space<hbm>>
      %dma_start3A_142 = arith.constant 0 : i32
      %dma_start3A_143 = tpu.memref_slice %arg8[%run_scoped3A_24, %dma_start3A_142] : memref<8x32xi32, #tpu.memory_space<vmem>> -> memref<1x32xi32, #tpu.memory_space<vmem>>
      %dma_start3A_144 = tpu.memref_squeeze %dma_start3A_143 : memref<1x32xi32, #tpu.memory_space<vmem>> -> memref<32xi32, #tpu.memory_space<vmem>>
      %dma_start3A_145 = tpu.memref_slice %arg3[%add3A_23] : memref<8192xi32, #tpu.memory_space<hbm>> -> memref<32xi32, #tpu.memory_space<hbm>>
      tpu.enqueue_dma source(%dma_start3A_145 : memref<32xi32, #tpu.memory_space<hbm>>) target(%dma_start3A_144 : memref<32xi32, #tpu.memory_space<vmem>>) target_semaphore(%run_scoped3A_138 : memref<!tpu.dma_semaphore, #tpu.memory_space<semaphore_mem>>)
      %dma_wait3A = arith.constant 0 : i32
      %dma_wait3A_146 = tpu.memref_slice %arg8[%run_scoped3A_24, %dma_wait3A] : memref<8x32xi32, #tpu.memory_space<vmem>> -> memref<1x32xi32, #tpu.memory_space<vmem>>
      %dma_wait3A_147 = tpu.memref_squeeze %dma_wait3A_146 : memref<1x32xi32, #tpu.memory_space<vmem>> -> memref<32xi32, #tpu.memory_space<vmem>>
      %dma_wait3A_148 = tpu.memref_slice %arg3[%add3A_23] : memref<8192xi32, #tpu.memory_space<hbm>> -> memref<32xi32, #tpu.memory_space<hbm>>
      %dma_wait3A_149 = arith.constant 0 : i32
      %dma_wait3A_150 = tpu.memref_slice %arg8[%run_scoped3A_24, %dma_wait3A_149] : memref<8x32xi32, #tpu.memory_space<vmem>> -> memref<1x32xi32, #tpu.memory_space<vmem>>
      %dma_wait3A_151 = tpu.memref_squeeze %dma_wait3A_150 : memref<1x32xi32, #tpu.memory_space<vmem>> -> memref<32xi32, #tpu.memory_space<vmem>>
      %dma_wait3A_152 = tpu.memref_slice %arg3[%add3A_23] : memref<8192xi32, #tpu.memory_space<hbm>> -> memref<32xi32, #tpu.memory_space<hbm>>
      tpu.wait_dma2 semaphore(%run_scoped3A_138 : memref<!tpu.dma_semaphore, #tpu.memory_space<semaphore_mem>>) src(%dma_wait3A_152 : memref<32xi32, #tpu.memory_space<hbm>>) dst(%dma_wait3A_151 : memref<32xi32, #tpu.memory_space<vmem>>)
      tpu.yield
    }) : () -> ()
    %add3A_25 = arith.constant 7168 : i32
    %add3A_26 = arith.addi %add3A_25, %mul3A_2 : i32
    %run_scoped3A_27 = arith.constant 7 : i32
    "tpu.region"() ({
      %run_scoped3A_138 = tpu.sem_alloc : memref<!tpu.dma_semaphore, #tpu.memory_space<semaphore_mem>>
      %dma_start3A = arith.constant 0 : i32
      %dma_start3A_139 = tpu.memref_slice %arg8[%run_scoped3A_27, %dma_start3A] : memref<8x32xi32, #tpu.memory_space<vmem>> -> memref<1x32xi32, #tpu.memory_space<vmem>>
      %dma_start3A_140 = tpu.memref_squeeze %dma_start3A_139 : memref<1x32xi32, #tpu.memory_space<vmem>> -> memref<32xi32, #tpu.memory_space<vmem>>
      %dma_start3A_141 = tpu.memref_slice %arg3[%add3A_26] : memref<8192xi32, #tpu.memory_space<hbm>> -> memref<32xi32, #tpu.memory_space<hbm>>
      %dma_start3A_142 = arith.constant 0 : i32
      %dma_start3A_143 = tpu.memref_slice %arg8[%run_scoped3A_27, %dma_start3A_142] : memref<8x32xi32, #tpu.memory_space<vmem>> -> memref<1x32xi32, #tpu.memory_space<vmem>>
      %dma_start3A_144 = tpu.memref_squeeze %dma_start3A_143 : memref<1x32xi32, #tpu.memory_space<vmem>> -> memref<32xi32, #tpu.memory_space<vmem>>
      %dma_start3A_145 = tpu.memref_slice %arg3[%add3A_26] : memref<8192xi32, #tpu.memory_space<hbm>> -> memref<32xi32, #tpu.memory_space<hbm>>
      tpu.enqueue_dma source(%dma_start3A_145 : memref<32xi32, #tpu.memory_space<hbm>>) target(%dma_start3A_144 : memref<32xi32, #tpu.memory_space<vmem>>) target_semaphore(%run_scoped3A_138 : memref<!tpu.dma_semaphore, #tpu.memory_space<semaphore_mem>>)
      %dma_wait3A = arith.constant 0 : i32
      %dma_wait3A_146 = tpu.memref_slice %arg8[%run_scoped3A_27, %dma_wait3A] : memref<8x32xi32, #tpu.memory_space<vmem>> -> memref<1x32xi32, #tpu.memory_space<vmem>>
      %dma_wait3A_147 = tpu.memref_squeeze %dma_wait3A_146 : memref<1x32xi32, #tpu.memory_space<vmem>> -> memref<32xi32, #tpu.memory_space<vmem>>
      %dma_wait3A_148 = tpu.memref_slice %arg3[%add3A_26] : memref<8192xi32, #tpu.memory_space<hbm>> -> memref<32xi32, #tpu.memory_space<hbm>>
      %dma_wait3A_149 = arith.constant 0 : i32
      %dma_wait3A_150 = tpu.memref_slice %arg8[%run_scoped3A_27, %dma_wait3A_149] : memref<8x32xi32, #tpu.memory_space<vmem>> -> memref<1x32xi32, #tpu.memory_space<vmem>>
      %dma_wait3A_151 = tpu.memref_squeeze %dma_wait3A_150 : memref<1x32xi32, #tpu.memory_space<vmem>> -> memref<32xi32, #tpu.memory_space<vmem>>
      %dma_wait3A_152 = tpu.memref_slice %arg3[%add3A_26] : memref<8192xi32, #tpu.memory_space<hbm>> -> memref<32xi32, #tpu.memory_space<hbm>>
      tpu.wait_dma2 semaphore(%run_scoped3A_138 : memref<!tpu.dma_semaphore, #tpu.memory_space<semaphore_mem>>) src(%dma_wait3A_152 : memref<32xi32, #tpu.memory_space<hbm>>) dst(%dma_wait3A_151 : memref<32xi32, #tpu.memory_space<vmem>>)
      tpu.yield
    }) : () -> ()
    "tpu.region"() ({
      %run_scoped3A_138 = tpu.sem_alloc : memref<!tpu.dma_semaphore, #tpu.memory_space<semaphore_mem>>
      %dma_start3A = arith.constant 0 : i32
      %dma_start3A_139 = tpu.memref_slice %arg4[%mul3A_2, %dma_start3A] : memref<1024x100xf32, #tpu.memory_space<hbm>> -> memref<32x100xf32, #tpu.memory_space<hbm>>
      %dma_start3A_140 = arith.constant 0 : i32
      %dma_start3A_141 = tpu.memref_slice %arg4[%mul3A_2, %dma_start3A_140] : memref<1024x100xf32, #tpu.memory_space<hbm>> -> memref<32x100xf32, #tpu.memory_space<hbm>>
      tpu.enqueue_dma source(%dma_start3A_141 : memref<32x100xf32, #tpu.memory_space<hbm>>) target(%arg9 : memref<32x100xf32, #tpu.memory_space<vmem>>) target_semaphore(%run_scoped3A_138 : memref<!tpu.dma_semaphore, #tpu.memory_space<semaphore_mem>>)
      %dma_wait3A = arith.constant 0 : i32
      %dma_wait3A_142 = tpu.memref_slice %arg4[%mul3A_2, %dma_wait3A] : memref<1024x100xf32, #tpu.memory_space<hbm>> -> memref<32x100xf32, #tpu.memory_space<hbm>>
      %dma_wait3A_143 = arith.constant 0 : i32
      %dma_wait3A_144 = tpu.memref_slice %arg4[%mul3A_2, %dma_wait3A_143] : memref<1024x100xf32, #tpu.memory_space<hbm>> -> memref<32x100xf32, #tpu.memory_space<hbm>>
      tpu.wait_dma2 semaphore(%run_scoped3A_138 : memref<!tpu.dma_semaphore, #tpu.memory_space<semaphore_mem>>) src(%dma_wait3A_144 : memref<32x100xf32, #tpu.memory_space<hbm>>) dst(%arg9 : memref<32x100xf32, #tpu.memory_space<vmem>>)
      tpu.yield
    }) : () -> ()
    %iota3A = tpu.iota {dimensions = array<i32: 0>} : vector<16xi32>
    %broadcast_in_dim3A = arith.constant 1.000000e+00 : f32
    %broadcast_in_dim3A_28 = vector.broadcast %broadcast_in_dim3A : f32 to vector<16xf32>
    %broadcast_in_dim3A_29 = arith.constant 0 : i32
    %broadcast_in_dim3A_30 = vector.broadcast %broadcast_in_dim3A_29 : i32 to vector<16xi32>
    %get3A = arith.constant 0 : i32
    %get3A_31 = arith.index_cast %get3A : i32 to index
    %get3A_32 = arith.constant 0 : index
    %get3A_33 = tpu.vector_load %arg8[%get3A_31, %get3A_32] {strides = array<i32>} : memref<8x32xi32, #tpu.memory_space<vmem>>, vector<16xi32>,
    %gather3A = tpu.vector_load_idx %arg7[%get3A_33] : memref<100352xi32, #tpu.memory_space<vmem>>[vector<16xi32>], vector<16xi32>,
    %add3A_34 = arith.addi %broadcast_in_dim3A_30, %gather3A : vector<16xi32>
    %get3A_35 = arith.constant 1 : i32
    %get3A_36 = arith.index_cast %get3A_35 : i32 to index
    %get3A_37 = arith.constant 0 : index
    %get3A_38 = tpu.vector_load %arg8[%get3A_36, %get3A_37] {strides = array<i32>} : memref<8x32xi32, #tpu.memory_space<vmem>>, vector<16xi32>,
    %gather3A_39 = tpu.vector_load_idx %arg7[%get3A_38] : memref<100352xi32, #tpu.memory_space<vmem>>[vector<16xi32>], vector<16xi32>,
    %add3A_40 = arith.addi %add3A_34, %gather3A_39 : vector<16xi32>
    %get3A_41 = arith.constant 2 : i32
    %get3A_42 = arith.index_cast %get3A_41 : i32 to index
    %get3A_43 = arith.constant 0 : index
    %get3A_44 = tpu.vector_load %arg8[%get3A_42, %get3A_43] {strides = array<i32>} : memref<8x32xi32, #tpu.memory_space<vmem>>, vector<16xi32>,
    %gather3A_45 = tpu.vector_load_idx %arg7[%get3A_44] : memref<100352xi32, #tpu.memory_space<vmem>>[vector<16xi32>], vector<16xi32>,
    %add3A_46 = arith.addi %add3A_40, %gather3A_45 : vector<16xi32>
    %get3A_47 = arith.constant 3 : i32
    %get3A_48 = arith.index_cast %get3A_47 : i32 to index
    %get3A_49 = arith.constant 0 : index
    %get3A_50 = tpu.vector_load %arg8[%get3A_48, %get3A_49] {strides = array<i32>} : memref<8x32xi32, #tpu.memory_space<vmem>>, vector<16xi32>,
    %gather3A_51 = tpu.vector_load_idx %arg7[%get3A_50] : memref<100352xi32, #tpu.memory_space<vmem>>[vector<16xi32>], vector<16xi32>,
    %add3A_52 = arith.addi %add3A_46, %gather3A_51 : vector<16xi32>
    %get3A_53 = arith.constant 4 : i32
    %get3A_54 = arith.index_cast %get3A_53 : i32 to index
    %get3A_55 = arith.constant 0 : index
    %get3A_56 = tpu.vector_load %arg8[%get3A_54, %get3A_55] {strides = array<i32>} : memref<8x32xi32, #tpu.memory_space<vmem>>, vector<16xi32>,
    %gather3A_57 = tpu.vector_load_idx %arg7[%get3A_56] : memref<100352xi32, #tpu.memory_space<vmem>>[vector<16xi32>], vector<16xi32>,
    %add3A_58 = arith.addi %add3A_52, %gather3A_57 : vector<16xi32>
    %get3A_59 = arith.constant 5 : i32
    %get3A_60 = arith.index_cast %get3A_59 : i32 to index
    %get3A_61 = arith.constant 0 : index
    %get3A_62 = tpu.vector_load %arg8[%get3A_60, %get3A_61] {strides = array<i32>} : memref<8x32xi32, #tpu.memory_space<vmem>>, vector<16xi32>,
    %gather3A_63 = tpu.vector_load_idx %arg7[%get3A_62] : memref<100352xi32, #tpu.memory_space<vmem>>[vector<16xi32>], vector<16xi32>,
    %add3A_64 = arith.addi %add3A_58, %gather3A_63 : vector<16xi32>
    %get3A_65 = arith.constant 6 : i32
    %get3A_66 = arith.index_cast %get3A_65 : i32 to index
    %get3A_67 = arith.constant 0 : index
    %get3A_68 = tpu.vector_load %arg8[%get3A_66, %get3A_67] {strides = array<i32>} : memref<8x32xi32, #tpu.memory_space<vmem>>, vector<16xi32>,
    %gather3A_69 = tpu.vector_load_idx %arg7[%get3A_68] : memref<100352xi32, #tpu.memory_space<vmem>>[vector<16xi32>], vector<16xi32>,
    %add3A_70 = arith.addi %add3A_64, %gather3A_69 : vector<16xi32>
    %get3A_71 = arith.constant 7 : i32
    %get3A_72 = arith.index_cast %get3A_71 : i32 to index
    %get3A_73 = arith.constant 0 : index
    %get3A_74 = tpu.vector_load %arg8[%get3A_72, %get3A_73] {strides = array<i32>} : memref<8x32xi32, #tpu.memory_space<vmem>>, vector<16xi32>,
    %gather3A_75 = tpu.vector_load_idx %arg7[%get3A_74] : memref<100352xi32, #tpu.memory_space<vmem>>[vector<16xi32>], vector<16xi32>,
    %add3A_76 = arith.addi %add3A_70, %gather3A_75 : vector<16xi32>
    %shift_right_arithmetic3A = arith.constant 3 : i32
    %shift_right_arithmetic3A_77 = vector.broadcast %shift_right_arithmetic3A : i32 to vector<16xi32>
    %shift_right_arithmetic3A_78 = arith.shrsi %add3A_76, %shift_right_arithmetic3A_77 : vector<16xi32>
    %add3A_79 = arith.constant 0 : i32
    %add3A_80 = vector.broadcast %add3A_79 : i32 to vector<16xi32>
    %add3A_81 = arith.addi %add3A_80, %iota3A : vector<16xi32>
    tpu.vector_store_idx %arg9[%add3A_81, %shift_right_arithmetic3A_78], %broadcast_in_dim3A_28 : memref<32x100xf32, #tpu.memory_space<vmem>>[vector<16xi32>, vector<16xi32>], vector<16xf32>,
    %broadcast_in_dim3A_82 = arith.constant 0 : i32
    %broadcast_in_dim3A_83 = vector.broadcast %broadcast_in_dim3A_82 : i32 to vector<16xi32>
    %get3A_84 = arith.constant 0 : i32
    %get3A_85 = arith.index_cast %get3A_84 : i32 to index
    %get3A_86 = arith.constant 16 : index
    %get3A_87 = tpu.vector_load %arg8[%get3A_85, %get3A_86] {strides = array<i32>} : memref<8x32xi32, #tpu.memory_space<vmem>>, vector<16xi32>,
    %gather3A_88 = tpu.vector_load_idx %arg7[%get3A_87] : memref<100352xi32, #tpu.memory_space<vmem>>[vector<16xi32>], vector<16xi32>,
    %add3A_89 = arith.addi %broadcast_in_dim3A_83, %gather3A_88 : vector<16xi32>
    %get3A_90 = arith.constant 1 : i32
    %get3A_91 = arith.index_cast %get3A_90 : i32 to index
    %get3A_92 = arith.constant 16 : index
    %get3A_93 = tpu.vector_load %arg8[%get3A_91, %get3A_92] {strides = array<i32>} : memref<8x32xi32, #tpu.memory_space<vmem>>, vector<16xi32>,
    %gather3A_94 = tpu.vector_load_idx %arg7[%get3A_93] : memref<100352xi32, #tpu.memory_space<vmem>>[vector<16xi32>], vector<16xi32>,
    %add3A_95 = arith.addi %add3A_89, %gather3A_94 : vector<16xi32>
    %get3A_96 = arith.constant 2 : i32
    %get3A_97 = arith.index_cast %get3A_96 : i32 to index
    %get3A_98 = arith.constant 16 : index
    %get3A_99 = tpu.vector_load %arg8[%get3A_97, %get3A_98] {strides = array<i32>} : memref<8x32xi32, #tpu.memory_space<vmem>>, vector<16xi32>,
    %gather3A_100 = tpu.vector_load_idx %arg7[%get3A_99] : memref<100352xi32, #tpu.memory_space<vmem>>[vector<16xi32>], vector<16xi32>,
    %add3A_101 = arith.addi %add3A_95, %gather3A_100 : vector<16xi32>
    %get3A_102 = arith.constant 3 : i32
    %get3A_103 = arith.index_cast %get3A_102 : i32 to index
    %get3A_104 = arith.constant 16 : index
    %get3A_105 = tpu.vector_load %arg8[%get3A_103, %get3A_104] {strides = array<i32>} : memref<8x32xi32, #tpu.memory_space<vmem>>, vector<16xi32>,
    %gather3A_106 = tpu.vector_load_idx %arg7[%get3A_105] : memref<100352xi32, #tpu.memory_space<vmem>>[vector<16xi32>], vector<16xi32>,
    %add3A_107 = arith.addi %add3A_101, %gather3A_106 : vector<16xi32>
    %get3A_108 = arith.constant 4 : i32
    %get3A_109 = arith.index_cast %get3A_108 : i32 to index
    %get3A_110 = arith.constant 16 : index
    %get3A_111 = tpu.vector_load %arg8[%get3A_109, %get3A_110] {strides = array<i32>} : memref<8x32xi32, #tpu.memory_space<vmem>>, vector<16xi32>,
    %gather3A_112 = tpu.vector_load_idx %arg7[%get3A_111] : memref<100352xi32, #tpu.memory_space<vmem>>[vector<16xi32>], vector<16xi32>,
    %add3A_113 = arith.addi %add3A_107, %gather3A_112 : vector<16xi32>
    %get3A_114 = arith.constant 5 : i32
    %get3A_115 = arith.index_cast %get3A_114 : i32 to index
    %get3A_116 = arith.constant 16 : index
    %get3A_117 = tpu.vector_load %arg8[%get3A_115, %get3A_116] {strides = array<i32>} : memref<8x32xi32, #tpu.memory_space<vmem>>, vector<16xi32>,
    %gather3A_118 = tpu.vector_load_idx %arg7[%get3A_117] : memref<100352xi32, #tpu.memory_space<vmem>>[vector<16xi32>], vector<16xi32>,
    %add3A_119 = arith.addi %add3A_113, %gather3A_118 : vector<16xi32>
    %get3A_120 = arith.constant 6 : i32
    %get3A_121 = arith.index_cast %get3A_120 : i32 to index
    %get3A_122 = arith.constant 16 : index
    %get3A_123 = tpu.vector_load %arg8[%get3A_121, %get3A_122] {strides = array<i32>} : memref<8x32xi32, #tpu.memory_space<vmem>>, vector<16xi32>,
    %gather3A_124 = tpu.vector_load_idx %arg7[%get3A_123] : memref<100352xi32, #tpu.memory_space<vmem>>[vector<16xi32>], vector<16xi32>,
    %add3A_125 = arith.addi %add3A_119, %gather3A_124 : vector<16xi32>
    %get3A_126 = arith.constant 7 : i32
    %get3A_127 = arith.index_cast %get3A_126 : i32 to index
    %get3A_128 = arith.constant 16 : index
    %get3A_129 = tpu.vector_load %arg8[%get3A_127, %get3A_128] {strides = array<i32>} : memref<8x32xi32, #tpu.memory_space<vmem>>, vector<16xi32>,
    %gather3A_130 = tpu.vector_load_idx %arg7[%get3A_129] : memref<100352xi32, #tpu.memory_space<vmem>>[vector<16xi32>], vector<16xi32>,
    %add3A_131 = arith.addi %add3A_125, %gather3A_130 : vector<16xi32>
    %shift_right_arithmetic3A_132 = arith.constant 3 : i32
    %shift_right_arithmetic3A_133 = vector.broadcast %shift_right_arithmetic3A_132 : i32 to vector<16xi32>
    %shift_right_arithmetic3A_134 = arith.shrsi %add3A_131, %shift_right_arithmetic3A_133 : vector<16xi32>
    %add3A_135 = arith.constant 16 : i32
    %add3A_136 = vector.broadcast %add3A_135 : i32 to vector<16xi32>
    %add3A_137 = arith.addi %add3A_136, %iota3A : vector<16xi32>
    tpu.vector_store_idx %arg9[%add3A_137, %shift_right_arithmetic3A_134], %broadcast_in_dim3A_28 : memref<32x100xf32, #tpu.memory_space<vmem>>[vector<16xi32>, vector<16xi32>], vector<16xf32>,
    "tpu.region"() ({
      %run_scoped3A_138 = tpu.sem_alloc : memref<!tpu.dma_semaphore, #tpu.memory_space<semaphore_mem>>
      %dma_start3A = arith.constant 0 : i32
      %dma_start3A_139 = tpu.memref_slice %arg5[%mul3A_2, %dma_start3A] : memref<1024x100xf32, #tpu.memory_space<hbm>> -> memref<32x100xf32, #tpu.memory_space<hbm>>
      %dma_start3A_140 = arith.constant 0 : i32
      %dma_start3A_141 = tpu.memref_slice %arg5[%mul3A_2, %dma_start3A_140] : memref<1024x100xf32, #tpu.memory_space<hbm>> -> memref<32x100xf32, #tpu.memory_space<hbm>>
      tpu.enqueue_dma source(%arg9 : memref<32x100xf32, #tpu.memory_space<vmem>>) target(%dma_start3A_141 : memref<32x100xf32, #tpu.memory_space<hbm>>) target_semaphore(%run_scoped3A_138 : memref<!tpu.dma_semaphore, #tpu.memory_space<semaphore_mem>>)
      %dma_wait3A = arith.constant 0 : i32
      %dma_wait3A_142 = tpu.memref_slice %arg5[%mul3A_2, %dma_wait3A] : memref<1024x100xf32, #tpu.memory_space<hbm>> -> memref<32x100xf32, #tpu.memory_space<hbm>>
      %dma_wait3A_143 = arith.constant 0 : i32
      %dma_wait3A_144 = tpu.memref_slice %arg5[%mul3A_2, %dma_wait3A_143] : memref<1024x100xf32, #tpu.memory_space<hbm>> -> memref<32x100xf32, #tpu.memory_space<hbm>>
      tpu.wait_dma2 semaphore(%run_scoped3A_138 : memref<!tpu.dma_semaphore, #tpu.memory_space<semaphore_mem>>) src(%arg9 : memref<32x100xf32, #tpu.memory_space<vmem>>) dst(%dma_wait3A_144 : memref<32x100xf32, #tpu.memory_space<hbm>>)
      tpu.yield
    }) : () -> ()
    return
  }
}

module attributes {stable_mosaic.version = 14 : i64} {
  func.func @_topk_body(%arg0: i32, %arg1: memref<1024x16xf32, #tpu.memory_space<vmem>>, %arg2: memref<1024x1xf32, #tpu.memory_space<vmem>>, %arg3: memref<16x2048xf32, #tpu.memory_space<vmem>>, %arg4: memref<1x1x2048xf32, #tpu.memory_space<vmem>>, %arg5: memref<1024x8xf32, #tpu.memory_space<vmem>>, %arg6: memref<1024x8xi32, #tpu.memory_space<vmem>>, %arg7: memref<1024x2048xf32, #tpu.memory_space<vmem>>) attributes {dimension_semantics = [#tpu.dimension_semantics<arbitrary>], iteration_bounds = array<i64: 49>, scalar_prefetch = 0 : i64, scratch_operands = 1 : i64, tpu.core_type = #tpu.core_type<tc>, window_params = [{pipeline_mode = #tpu.pipeline_mode<synchronous>, transform_indices = @transform_0, window_bounds = array<i64: 1024, 16>}, {pipeline_mode = #tpu.pipeline_mode<synchronous>, transform_indices = @transform_1, window_bounds = array<i64: 1024, 1>}, {transform_indices = @transform_2, window_bounds = array<i64: 16, 2048>}, {transform_indices = @transform_3, window_bounds = array<i64: 1, 1, 2048>}, {pipeline_mode = #tpu.pipeline_mode<synchronous>, transform_indices = @transform_4, window_bounds = array<i64: 1024, 8>}, {pipeline_mode = #tpu.pipeline_mode<synchronous>, transform_indices = @transform_5, window_bounds = array<i64: 1024, 8>}]} {
    %eq3A = arith.constant 0 : i32
    %eq3A_0 = arith.cmpi eq, %arg0, %eq3A : i32
    %convert_element_type3A = arith.extui %eq3A_0 : i1 to i32
    %cond3A = arith.constant 0 : i32
    %cond3A_1 = arith.cmpi ne, %convert_element_type3A, %cond3A : i32
    scf.if %cond3A_1 {
      %broadcast_in_dim3A_90 = arith.constant 0xFF800000 : f32
      %broadcast_in_dim3A_91 = vector.broadcast %broadcast_in_dim3A_90 : f32 to vector<1024x8xf32>
      %swap3A_92 = arith.constant 0 : index
      %swap3A_93 = arith.constant 0 : index
      %swap3A_94 = vector.load %arg5[%swap3A_92, %swap3A_93] : memref<1024x8xf32, #tpu.memory_space<vmem>>, vector<1024x8xf32>
      tpu.vector_store %arg5[%swap3A_92, %swap3A_93], %broadcast_in_dim3A_91 {strides = array<i32>} : memref<1024x8xf32, #tpu.memory_space<vmem>>, vector<1024x8xf32>,
      %broadcast_in_dim3A_95 = arith.constant 2147483647 : i32
      %broadcast_in_dim3A_96 = vector.broadcast %broadcast_in_dim3A_95 : i32 to vector<1024x8xi32>
      %swap3A_97 = arith.constant 0 : index
      %swap3A_98 = arith.constant 0 : index
      %swap3A_99 = vector.load %arg6[%swap3A_97, %swap3A_98] : memref<1024x8xi32, #tpu.memory_space<vmem>>, vector<1024x8xi32>
      tpu.vector_store %arg6[%swap3A_97, %swap3A_98], %broadcast_in_dim3A_96 {strides = array<i32>} : memref<1024x8xi32, #tpu.memory_space<vmem>>, vector<1024x8xi32>,
    } else {
    }
    %get3A = arith.constant 0 : index
    %get3A_2 = arith.constant 0 : index
    %get3A_3 = vector.load %arg1[%get3A, %get3A_2] : memref<1024x16xf32, #tpu.memory_space<vmem>>, vector<1024x16xf32>
    %get3A_4 = arith.constant 0 : index
    %get3A_5 = arith.constant 0 : index
    %get3A_6 = vector.load %arg3[%get3A_4, %get3A_5] : memref<16x2048xf32, #tpu.memory_space<vmem>>, vector<16x2048xf32>
    %dot_general3A = arith.constant dense<0.000000e+00> : vector<1024x2048xf32>
    %dot_general3A_7 = tpu.matmul %get3A_3, %get3A_6, %dot_general3A {dimension_numbers = #tpu.dot_dimension_numbers<[1], [0], [0], [1], [0, 0, 1, 1], [], []>, transpose_lhs_hint = false} : vector<1024x16xf32>, vector<16x2048xf32>, vector<1024x2048xf32> -> vector<1024x2048xf32>
    %get3A_8 = arith.constant 0 : index
    %get3A_9 = arith.constant 0 : index
    %get3A_10 = vector.load %arg2[%get3A_8, %get3A_9] : memref<1024x1xf32, #tpu.memory_space<vmem>>, vector<1024x1xf32>
    %get3A_11 = arith.constant 0 : index
    %get3A_12 = arith.constant 0 : index
    %get3A_13 = arith.constant 0 : index
    %get3A_14 = vector.load %arg4[%get3A_11, %get3A_12, %get3A_13] : memref<1x1x2048xf32, #tpu.memory_space<vmem>>, vector<1x1x2048xf32>
    %get3A_15 = vector.shape_cast %get3A_14 : vector<1x1x2048xf32> to vector<1x2048xf32>
    %add3A = vector.broadcast %get3A_10 : vector<1024x1xf32> to vector<1024x2048xf32>
    %add3A_16 = vector.broadcast %get3A_15 : vector<1x2048xf32> to vector<1024x2048xf32>
    %add3A_17 = arith.addf %add3A, %add3A_16 : vector<1024x2048xf32>
    %sqrt3A = math.sqrt %add3A_17 : vector<1024x2048xf32>
    %sub3A = arith.subf %dot_general3A_7, %sqrt3A : vector<1024x2048xf32>
    %iota3A = tpu.iota {dimensions = array<i32: 1>} : vector<1024x2048xi32>
    %reduce_max3A = arith.constant dense<0xFF800000> : vector<1024xf32>
    %reduce_max3A_18 = vector.multi_reduction <maximumf>, %sub3A, %reduce_max3A [1] : vector<1024x2048xf32> to vector<1024xf32>
    %broadcast_in_dim3A = vector.shape_cast %reduce_max3A_18 : vector<1024xf32> to vector<1024x1xf32>
    %eq3A_19 = vector.broadcast %broadcast_in_dim3A : vector<1024x1xf32> to vector<1024x2048xf32>
    %eq3A_20 = arith.cmpf oeq, %sub3A, %eq3A_19 : vector<1024x2048xf32>
    %jit3A = arith.constant 2147483647 : i32
    %broadcast_in_dim3A_21 = vector.broadcast %jit3A : i32 to vector<1024x2048xi32>
    %select_n3A = arith.select %eq3A_20, %iota3A, %broadcast_in_dim3A_21 : vector<1024x2048xi1>, vector<1024x2048xi32>
    %reduce_min3A = arith.constant dense<2147483647> : vector<1024xi32>
    %reduce_min3A_22 = vector.multi_reduction <minsi>, %select_n3A, %reduce_min3A [1] : vector<1024x2048xi32> to vector<1024xi32>
    %broadcast_in_dim3A_23 = vector.shape_cast %reduce_min3A_22 : vector<1024xi32> to vector<1024x1xi32>
    %eq3A_24 = vector.broadcast %broadcast_in_dim3A_23 : vector<1024x1xi32> to vector<1024x2048xi32>
    %eq3A_25 = arith.cmpi eq, %iota3A, %eq3A_24 : vector<1024x2048xi32>
    %jit3A_26 = arith.constant 0xFF800000 : f32
    %broadcast_in_dim3A_27 = vector.broadcast %jit3A_26 : f32 to vector<1024x2048xf32>
    %select_n3A_28 = arith.select %eq3A_25, %broadcast_in_dim3A_27, %sub3A : vector<1024x2048xi1>, vector<1024x2048xf32>
    %swap3A = arith.constant 0 : index
    %swap3A_29 = arith.constant 0 : index
    %swap3A_30 = vector.load %arg7[%swap3A, %swap3A_29] : memref<1024x2048xf32, #tpu.memory_space<vmem>>, vector<1024x2048xf32>
    tpu.vector_store %arg7[%swap3A, %swap3A_29], %select_n3A_28 {strides = array<i32>} : memref<1024x2048xf32, #tpu.memory_space<vmem>>, vector<1024x2048xf32>,
    %reduce_max3A_31 = arith.constant dense<0xFF800000> : vector<1024xf32>
    %reduce_max3A_32 = vector.multi_reduction <maximumf>, %select_n3A_28, %reduce_max3A_31 [1] : vector<1024x2048xf32> to vector<1024xf32>
    %broadcast_in_dim3A_33 = vector.shape_cast %reduce_max3A_32 : vector<1024xf32> to vector<1024x1xf32>
    %mul3A = arith.constant 2048 : i32
    %mul3A_34 = arith.muli %arg0, %mul3A : i32
    %add3A_35 = vector.broadcast %mul3A_34 : i32 to vector<1024x1xi32>
    %add3A_36 = arith.addi %broadcast_in_dim3A_23, %add3A_35 : vector<1024x1xi32>
    %get3A_37 = arith.constant 0 : index
    %get3A_38 = arith.constant 0 : index
    %get3A_39 = vector.load %arg5[%get3A_37, %get3A_38] : memref<1024x8xf32, #tpu.memory_space<vmem>>, vector<1024x8xf32>
    %get3A_40 = arith.constant 0 : index
    %get3A_41 = arith.constant 0 : index
    %get3A_42 = vector.load %arg6[%get3A_40, %get3A_41] : memref<1024x8xi32, #tpu.memory_space<vmem>>, vector<1024x8xi32>
    %gt3A = vector.broadcast %broadcast_in_dim3A : vector<1024x1xf32> to vector<1024x8xf32>
    %gt3A_43 = arith.cmpf ogt, %get3A_39, %gt3A : vector<1024x8xf32>
    %eq3A_44 = vector.broadcast %broadcast_in_dim3A : vector<1024x1xf32> to vector<1024x8xf32>
    %eq3A_45 = arith.cmpf oeq, %get3A_39, %eq3A_44 : vector<1024x8xf32>
    %lt3A = vector.broadcast %add3A_36 : vector<1024x1xi32> to vector<1024x8xi32>
    %lt3A_46 = arith.cmpi slt, %get3A_42, %lt3A : vector<1024x8xi32>
    %and3A = arith.andi %eq3A_45, %lt3A_46 : vector<1024x8xi1>
    %or3A = arith.ori %gt3A_43, %and3A : vector<1024x8xi1>
    %convert_element_type3A_47 = arith.extui %or3A : vector<1024x8xi1> to vector<1024x8xi32>
    %reduce_sum3A = arith.constant dense<0> : vector<1024xi32>
    %reduce_sum3A_48 = vector.multi_reduction <add>, %convert_element_type3A_47, %reduce_sum3A [1] : vector<1024x8xi32> to vector<1024xi32>
    %broadcast_in_dim3A_49 = vector.shape_cast %reduce_sum3A_48 : vector<1024xi32> to vector<1024x1xi32>
    %iota3A_50 = tpu.iota {dimensions = array<i32: 1>} : vector<1024x8xi32>
    %slice3A = vector.extract_strided_slice %get3A_39 {offsets = [0, 0], sizes = [1024, 7], strides = [1, 1]} : vector<1024x8xf32> to vector<1024x7xf32>
    %concatenate3A = tpu.concatenate %broadcast_in_dim3A, %slice3A in 1 : vector<1024x1xf32>, vector<1024x7xf32> -> vector<1024x8xf32>
    %slice3A_51 = vector.extract_strided_slice %get3A_42 {offsets = [0, 0], sizes = [1024, 7], strides = [1, 1]} : vector<1024x8xi32> to vector<1024x7xi32>
    %concatenate3A_52 = tpu.concatenate %add3A_36, %slice3A_51 in 1 : vector<1024x1xi32>, vector<1024x7xi32> -> vector<1024x8xi32>
    %lt3A_53 = vector.broadcast %broadcast_in_dim3A_49 : vector<1024x1xi32> to vector<1024x8xi32>
    %lt3A_54 = arith.cmpi slt, %iota3A_50, %lt3A_53 : vector<1024x8xi32>
    %eq3A_55 = vector.broadcast %broadcast_in_dim3A_49 : vector<1024x1xi32> to vector<1024x8xi32>
    %eq3A_56 = arith.cmpi eq, %iota3A_50, %eq3A_55 : vector<1024x8xi32>
    %broadcast_in_dim3A_57 = vector.shape_cast %broadcast_in_dim3A : vector<1024x1xf32> to vector<1024x1xf32>
    %broadcast_in_dim3A_58 = vector.broadcast %broadcast_in_dim3A_57 : vector<1024x1xf32> to vector<1024x8xf32>
    %select_n3A_59 = arith.select %eq3A_56, %broadcast_in_dim3A_58, %concatenate3A : vector<1024x8xi1>, vector<1024x8xf32>
    %select_n3A_60 = arith.select %lt3A_54, %get3A_39, %select_n3A_59 : vector<1024x8xi1>, vector<1024x8xf32>
    %swap3A_61 = arith.constant 0 : index
    %swap3A_62 = arith.constant 0 : index
    %swap3A_63 = vector.load %arg5[%swap3A_61, %swap3A_62] : memref<1024x8xf32, #tpu.memory_space<vmem>>, vector<1024x8xf32>
    tpu.vector_store %arg5[%swap3A_61, %swap3A_62], %select_n3A_60 {strides = array<i32>} : memref<1024x8xf32, #tpu.memory_space<vmem>>, vector<1024x8xf32>,
    %lt3A_64 = vector.broadcast %broadcast_in_dim3A_49 : vector<1024x1xi32> to vector<1024x8xi32>
    %lt3A_65 = arith.cmpi slt, %iota3A_50, %lt3A_64 : vector<1024x8xi32>
    %eq3A_66 = vector.broadcast %broadcast_in_dim3A_49 : vector<1024x1xi32> to vector<1024x8xi32>
    %eq3A_67 = arith.cmpi eq, %iota3A_50, %eq3A_66 : vector<1024x8xi32>
    %broadcast_in_dim3A_68 = vector.shape_cast %add3A_36 : vector<1024x1xi32> to vector<1024x1xi32>
    %broadcast_in_dim3A_69 = vector.broadcast %broadcast_in_dim3A_68 : vector<1024x1xi32> to vector<1024x8xi32>
    %select_n3A_70 = arith.select %eq3A_67, %broadcast_in_dim3A_69, %concatenate3A_52 : vector<1024x8xi1>, vector<1024x8xi32>
    %select_n3A_71 = arith.select %lt3A_65, %get3A_42, %select_n3A_70 : vector<1024x8xi1>, vector<1024x8xi32>
    %swap3A_72 = arith.constant 0 : index
    %swap3A_73 = arith.constant 0 : index
    %swap3A_74 = vector.load %arg6[%swap3A_72, %swap3A_73] : memref<1024x8xi32, #tpu.memory_space<vmem>>, vector<1024x8xi32>
    tpu.vector_store %arg6[%swap3A_72, %swap3A_73], %select_n3A_71 {strides = array<i32>} : memref<1024x8xi32, #tpu.memory_space<vmem>>, vector<1024x8xi32>,
    %get3A_75 = arith.constant 0 : index
    %get3A_76 = arith.constant 7 : index
    %get3A_77 = vector.load %arg5[%get3A_75, %get3A_76] : memref<1024x8xf32, #tpu.memory_space<vmem>>, vector<1024x1xf32>
    %gt3A_78 = arith.cmpf ogt, %broadcast_in_dim3A_33, %get3A_77 : vector<1024x1xf32>
    %reduce_or3A = arith.constant 1.000000e+00 : f32
    %reduce_or3A_79 = arith.constant 0.000000e+00 : f32
    %reduce_or3A_80 = vector.broadcast %reduce_or3A : f32 to vector<1024x1xf32>
    %reduce_or3A_81 = vector.broadcast %reduce_or3A_79 : f32 to vector<1024x1xf32>
    %reduce_or3A_82 = arith.select %gt3A_78, %reduce_or3A_80, %reduce_or3A_81 : vector<1024x1xi1>, vector<1024x1xf32>
    %reduce_or3A_83 = vector.shape_cast %reduce_or3A_82 : vector<1024x1xf32> to vector<1x1024x1xf32>
    %reduce_or3A_84 = arith.constant dense<0xFF800000> : vector<1xf32>
    %reduce_or3A_85 = vector.multi_reduction <maximumf>, %reduce_or3A_83, %reduce_or3A_84 [1, 2] : vector<1x1024x1xf32> to vector<1xf32>
    %reduce_or3A_86 = vector.shape_cast %reduce_or3A_85 : vector<1xf32> to vector<1x1x1xf32>
    %reduce_or3A_87 = vector.extract %reduce_or3A_86[0, 0, 0] : f32 from vector<1x1x1xf32>
    %reduce_or3A_88 = arith.constant 0.000000e+00 : f32
    %reduce_or3A_89 = arith.cmpf ogt, %reduce_or3A_87, %reduce_or3A_88 : f32
    %while3A:2 = scf.while (%while3A_90 = %reduce_or3A_89, %while3A_91 = %broadcast_in_dim3A_33) : (i1, vector<1024x1xf32>) -> (i1, vector<1024x1xf32>) {
      scf.condition(%while3A_90) %while3A_90, %while3A_91 : i1, vector<1024x1xf32>
    } do {
    ^bb0(%while3A_90: i1, %while3A_91: vector<1024x1xf32>):
      %get3A_92 = arith.constant 0 : index
      %get3A_93 = arith.constant 0 : index
      %get3A_94 = vector.load %arg7[%get3A_92, %get3A_93] : memref<1024x2048xf32, #tpu.memory_space<vmem>>, vector<1024x2048xf32>
      %eq3A_95 = vector.broadcast %while3A_91 : vector<1024x1xf32> to vector<1024x2048xf32>
      %eq3A_96 = arith.cmpf oeq, %get3A_94, %eq3A_95 : vector<1024x2048xf32>
      %jit3A_97 = arith.constant 2147483647 : i32
      %broadcast_in_dim3A_98 = vector.broadcast %jit3A_97 : i32 to vector<1024x2048xi32>
      %select_n3A_99 = arith.select %eq3A_96, %iota3A, %broadcast_in_dim3A_98 : vector<1024x2048xi1>, vector<1024x2048xi32>
      %reduce_min3A_100 = arith.constant dense<2147483647> : vector<1024xi32>
      %reduce_min3A_101 = vector.multi_reduction <minsi>, %select_n3A_99, %reduce_min3A_100 [1] : vector<1024x2048xi32> to vector<1024xi32>
      %broadcast_in_dim3A_102 = vector.shape_cast %reduce_min3A_101 : vector<1024xi32> to vector<1024x1xi32>
      %eq3A_103 = vector.broadcast %broadcast_in_dim3A_102 : vector<1024x1xi32> to vector<1024x2048xi32>
      %eq3A_104 = arith.cmpi eq, %iota3A, %eq3A_103 : vector<1024x2048xi32>
      %jit3A_105 = arith.constant 0xFF800000 : f32
      %broadcast_in_dim3A_106 = vector.broadcast %jit3A_105 : f32 to vector<1024x2048xf32>
      %select_n3A_107 = arith.select %eq3A_104, %broadcast_in_dim3A_106, %get3A_94 : vector<1024x2048xi1>, vector<1024x2048xf32>
      %swap3A_108 = arith.constant 0 : index
      %swap3A_109 = arith.constant 0 : index
      %swap3A_110 = vector.load %arg7[%swap3A_108, %swap3A_109] : memref<1024x2048xf32, #tpu.memory_space<vmem>>, vector<1024x2048xf32>
      tpu.vector_store %arg7[%swap3A_108, %swap3A_109], %select_n3A_107 {strides = array<i32>} : memref<1024x2048xf32, #tpu.memory_space<vmem>>, vector<1024x2048xf32>,
      %reduce_max3A_111 = arith.constant dense<0xFF800000> : vector<1024xf32>
      %reduce_max3A_112 = vector.multi_reduction <maximumf>, %select_n3A_107, %reduce_max3A_111 [1] : vector<1024x2048xf32> to vector<1024xf32>
      %broadcast_in_dim3A_113 = vector.shape_cast %reduce_max3A_112 : vector<1024xf32> to vector<1024x1xf32>
      %mul3A_114 = arith.constant 2048 : i32
      %mul3A_115 = arith.muli %arg0, %mul3A_114 : i32
      %add3A_116 = vector.broadcast %mul3A_115 : i32 to vector<1024x1xi32>
      %add3A_117 = arith.addi %broadcast_in_dim3A_102, %add3A_116 : vector<1024x1xi32>
      %get3A_118 = arith.constant 0 : index
      %get3A_119 = arith.constant 0 : index
      %get3A_120 = vector.load %arg5[%get3A_118, %get3A_119] : memref<1024x8xf32, #tpu.memory_space<vmem>>, vector<1024x8xf32>
      %get3A_121 = arith.constant 0 : index
      %get3A_122 = arith.constant 0 : index
      %get3A_123 = vector.load %arg6[%get3A_121, %get3A_122] : memref<1024x8xi32, #tpu.memory_space<vmem>>, vector<1024x8xi32>
      %gt3A_124 = vector.broadcast %while3A_91 : vector<1024x1xf32> to vector<1024x8xf32>
      %gt3A_125 = arith.cmpf ogt, %get3A_120, %gt3A_124 : vector<1024x8xf32>
      %eq3A_126 = vector.broadcast %while3A_91 : vector<1024x1xf32> to vector<1024x8xf32>
      %eq3A_127 = arith.cmpf oeq, %get3A_120, %eq3A_126 : vector<1024x8xf32>
      %lt3A_128 = vector.broadcast %add3A_117 : vector<1024x1xi32> to vector<1024x8xi32>
      %lt3A_129 = arith.cmpi slt, %get3A_123, %lt3A_128 : vector<1024x8xi32>
      %and3A_130 = arith.andi %eq3A_127, %lt3A_129 : vector<1024x8xi1>
      %or3A_131 = arith.ori %gt3A_125, %and3A_130 : vector<1024x8xi1>
      %convert_element_type3A_132 = arith.extui %or3A_131 : vector<1024x8xi1> to vector<1024x8xi32>
      %reduce_sum3A_133 = arith.constant dense<0> : vector<1024xi32>
      %reduce_sum3A_134 = vector.multi_reduction <add>, %convert_element_type3A_132, %reduce_sum3A_133 [1] : vector<1024x8xi32> to vector<1024xi32>
      %broadcast_in_dim3A_135 = vector.shape_cast %reduce_sum3A_134 : vector<1024xi32> to vector<1024x1xi32>
      %iota3A_136 = tpu.iota {dimensions = array<i32: 1>} : vector<1024x8xi32>
      %slice3A_137 = vector.extract_strided_slice %get3A_120 {offsets = [0, 0], sizes = [1024, 7], strides = [1, 1]} : vector<1024x8xf32> to vector<1024x7xf32>
      %concatenate3A_138 = tpu.concatenate %while3A_91, %slice3A_137 in 1 : vector<1024x1xf32>, vector<1024x7xf32> -> vector<1024x8xf32>
      %slice3A_139 = vector.extract_strided_slice %get3A_123 {offsets = [0, 0], sizes = [1024, 7], strides = [1, 1]} : vector<1024x8xi32> to vector<1024x7xi32>
      %concatenate3A_140 = tpu.concatenate %add3A_117, %slice3A_139 in 1 : vector<1024x1xi32>, vector<1024x7xi32> -> vector<1024x8xi32>
      %lt3A_141 = vector.broadcast %broadcast_in_dim3A_135 : vector<1024x1xi32> to vector<1024x8xi32>
      %lt3A_142 = arith.cmpi slt, %iota3A_136, %lt3A_141 : vector<1024x8xi32>
      %eq3A_143 = vector.broadcast %broadcast_in_dim3A_135 : vector<1024x1xi32> to vector<1024x8xi32>
      %eq3A_144 = arith.cmpi eq, %iota3A_136, %eq3A_143 : vector<1024x8xi32>
      %broadcast_in_dim3A_145 = vector.shape_cast %while3A_91 : vector<1024x1xf32> to vector<1024x1xf32>
      %broadcast_in_dim3A_146 = vector.broadcast %broadcast_in_dim3A_145 : vector<1024x1xf32> to vector<1024x8xf32>
      %select_n3A_147 = arith.select %eq3A_144, %broadcast_in_dim3A_146, %concatenate3A_138 : vector<1024x8xi1>, vector<1024x8xf32>
      %select_n3A_148 = arith.select %lt3A_142, %get3A_120, %select_n3A_147 : vector<1024x8xi1>, vector<1024x8xf32>
      %swap3A_149 = arith.constant 0 : index
      %swap3A_150 = arith.constant 0 : index
      %swap3A_151 = vector.load %arg5[%swap3A_149, %swap3A_150] : memref<1024x8xf32, #tpu.memory_space<vmem>>, vector<1024x8xf32>
      tpu.vector_store %arg5[%swap3A_149, %swap3A_150], %select_n3A_148 {strides = array<i32>} : memref<1024x8xf32, #tpu.memory_space<vmem>>, vector<1024x8xf32>,
      %lt3A_152 = vector.broadcast %broadcast_in_dim3A_135 : vector<1024x1xi32> to vector<1024x8xi32>
      %lt3A_153 = arith.cmpi slt, %iota3A_136, %lt3A_152 : vector<1024x8xi32>
      %eq3A_154 = vector.broadcast %broadcast_in_dim3A_135 : vector<1024x1xi32> to vector<1024x8xi32>
      %eq3A_155 = arith.cmpi eq, %iota3A_136, %eq3A_154 : vector<1024x8xi32>
      %broadcast_in_dim3A_156 = vector.shape_cast %add3A_117 : vector<1024x1xi32> to vector<1024x1xi32>
      %broadcast_in_dim3A_157 = vector.broadcast %broadcast_in_dim3A_156 : vector<1024x1xi32> to vector<1024x8xi32>
      %select_n3A_158 = arith.select %eq3A_155, %broadcast_in_dim3A_157, %concatenate3A_140 : vector<1024x8xi1>, vector<1024x8xi32>
      %select_n3A_159 = arith.select %lt3A_153, %get3A_123, %select_n3A_158 : vector<1024x8xi1>, vector<1024x8xi32>
      %swap3A_160 = arith.constant 0 : index
      %swap3A_161 = arith.constant 0 : index
      %swap3A_162 = vector.load %arg6[%swap3A_160, %swap3A_161] : memref<1024x8xi32, #tpu.memory_space<vmem>>, vector<1024x8xi32>
      tpu.vector_store %arg6[%swap3A_160, %swap3A_161], %select_n3A_159 {strides = array<i32>} : memref<1024x8xi32, #tpu.memory_space<vmem>>, vector<1024x8xi32>,
      %get3A_163 = arith.constant 0 : index
      %get3A_164 = arith.constant 7 : index
      %get3A_165 = vector.load %arg5[%get3A_163, %get3A_164] : memref<1024x8xf32, #tpu.memory_space<vmem>>, vector<1024x1xf32>
      %gt3A_166 = arith.cmpf ogt, %broadcast_in_dim3A_113, %get3A_165 : vector<1024x1xf32>
      %reduce_or3A_167 = arith.constant 1.000000e+00 : f32
      %reduce_or3A_168 = arith.constant 0.000000e+00 : f32
      %reduce_or3A_169 = vector.broadcast %reduce_or3A_167 : f32 to vector<1024x1xf32>
      %reduce_or3A_170 = vector.broadcast %reduce_or3A_168 : f32 to vector<1024x1xf32>
      %reduce_or3A_171 = arith.select %gt3A_166, %reduce_or3A_169, %reduce_or3A_170 : vector<1024x1xi1>, vector<1024x1xf32>
      %reduce_or3A_172 = vector.shape_cast %reduce_or3A_171 : vector<1024x1xf32> to vector<1x1024x1xf32>
      %reduce_or3A_173 = arith.constant dense<0xFF800000> : vector<1xf32>
      %reduce_or3A_174 = vector.multi_reduction <maximumf>, %reduce_or3A_172, %reduce_or3A_173 [1, 2] : vector<1x1024x1xf32> to vector<1xf32>
      %reduce_or3A_175 = vector.shape_cast %reduce_or3A_174 : vector<1xf32> to vector<1x1x1xf32>
      %reduce_or3A_176 = vector.extract %reduce_or3A_175[0, 0, 0] : f32 from vector<1x1x1xf32>
      %reduce_or3A_177 = arith.constant 0.000000e+00 : f32
      %reduce_or3A_178 = arith.cmpf ogt, %reduce_or3A_176, %reduce_or3A_177 : f32
      scf.yield %reduce_or3A_178, %broadcast_in_dim3A_113 : i1, vector<1024x1xf32>
    }
    return
  }
  func.func @transform_0(%arg0: i32) -> (i32, i32) {
    %c0_i32 = arith.constant 0 : i32
    %c0_i32_0 = arith.constant 0 : i32
    %c0_i32_1 = arith.constant 0 : i32
    return %c0_i32, %c0_i32_0 : i32, i32
  }
  func.func @transform_1(%arg0: i32) -> (i32, i32) {
    %c0_i32 = arith.constant 0 : i32
    %c0_i32_0 = arith.constant 0 : i32
    %c0_i32_1 = arith.constant 0 : i32
    return %c0_i32, %c0_i32_0 : i32, i32
  }
  func.func @transform_2(%arg0: i32) -> (i32, i32) {
    %c0_i32 = arith.constant 0 : i32
    %c0_i32_0 = arith.constant 0 : i32
    return %c0_i32, %arg0 : i32, i32
  }
  func.func @transform_3(%arg0: i32) -> (i32, i32, i32) {
    %c0_i32 = arith.constant 0 : i32
    %c0_i32_0 = arith.constant 0 : i32
    %c0_i32_1 = arith.constant 0 : i32
    return %arg0, %c0_i32, %c0_i32_0 : i32, i32, i32
  }
  func.func @transform_4(%arg0: i32) -> (i32, i32) {
    %c0_i32 = arith.constant 0 : i32
    %c0_i32_0 = arith.constant 0 : i32
    %c0_i32_1 = arith.constant 0 : i32
    return %c0_i32, %c0_i32_0 : i32, i32
  }
  func.func @transform_5(%arg0: i32) -> (i32, i32) {
    %c0_i32 = arith.constant 0 : i32
    %c0_i32_0 = arith.constant 0 : i32
    %c0_i32_1 = arith.constant 0 : i32
    return %c0_i32, %c0_i32_0 : i32, i32
  }
}

</mosaic_0001>

<sc_bundles>
// kernel: kernel.4.cloned.1.call-start
scs
__scs_entry_jumppad:
0x0: {  	(pc) =	sbr.rel $0x88, $3  }
0x1: {  	(tag) =	ssettag $0x0;
	lr =	simm.s32 $0x1  }
0x2: {  	[smem:$0x3F9D] =	sst lr;
	_ =	strace $0xD0000000  }
0x3: {  	_ = 	snop  }
0x4: {  	_ = 	snop  }
0x5: {  	_ = 	snop  }
0x6: {  	_ = 	snop  }
0x7: {  	_ = 	snop  }
__scs_overlays_trampoline_lowered:
0x8: {  	[smem:$0x3FAC] =	sst s0  }
0x9: {  	[smem:$0x3FAD] =	sst s1  }
0xa: {  	[smem:$0x3FAE] =	sst s2  }
0xb: {  	[smem:$0x3FAF] =	sst s3  }
0xc: {  	[smem:$0x3FB0] =	sst s4  }
0xd: {  	[smem:$0x3FB1] =	sst s5  }
0xe: {  	[smem:$0x3FB2] =	sst s6  }
0xf: {  	[smem:$0x3FB3] =	sst s7  }
0x10: {  	[smem:$0x3FB4] =	sst s8  }
0x11: {  	[smem:$0x3FB5] =	sst s9;
	s0 =	simm.s32 @!p0 $0x0  }
0x12: {  	s1 =	sld [smem:$0x3F9B];
	s0 =	simm.s32 @p0 $0x1  }
0x13: {  	[smem:$0x3FB6] =	sst s0;
	s0 =	simm.s32 @!p1 $0x0  }
0x14: {  	s2 =	sld [smem:$0x3F9A];
	s0 =	simm.s32 @p1 $0x1  }
0x15: {  	[smem:$0x3FB7] =	sst s0;
	s0 =	simm.s32 @!p2 $0x0  }
0x16: {  	s3 =	sld [smem:$0x3FDB];
	s0 =	simm.s32 @p2 $0x1  }
0x17: {  	s4 =	simm.s32 $0x1BF5;
	[smem:$0x3FB9] =	sst s0  }
0x18: {  	s0 =	sld [smem:$0x3F9C];
	_ =	swait.ge [sflag:s4], $0x0  }
0x19: {  	s7 =	sld [smem:$0x3F9D]  }
0x1a: {  	s8 =	sadd.s32 $0xFFFFE003, lr  }
0x1b: {  	s9 =	sadd.s32 $0xFFFFFEF7, lr;
	s5 =	simm.s32 $0xFFFFFFFF;
	p2 =	slt.u32 s8, $0xFFFFF086  }
0x1c: {  	p1 =	slt.u32 s9, $0xF7A;
	s5 =	simm.s32 @!p2 $0x0  }
0x1d: {  	s5 =	simm.s32 @p1 $0x1;
	p0 =	seq.s32 s7, s2  }
0x1e: {  	s7 =	smul.u32 @!p0 $0xF7A, s2;
	p2 =	seq.s32 @!p0 s5, $0x0  }
0x1f: {  	s9 =	smul.u32 $0xF7A, s1;
	s8 =	simm.s32 @!p0 $0x1BF5;
	p2 =	por !p2, p0  }
0x20: {  	[sflag:s8] =	ssyncset.s32 @!p0 $0xFFFFF086;
	s6 =	sadd.s32 @!p0 s3, s7;
	s7 =	simm.s32 @!p0 $0x108  }
0x21: {  	s3 =	sadd.s32 s3, s9;
	s6 =	sadd.s32 @!p0 $0x88, s6;
	s7 =	simm.s32 @p2 $0x1082  }
0x22: {  	[simem:s7], [sflag:s8] =	dma.local @!p0 [hbm:s6], $0xF7A  }
0x23: {  	s9 =	sor.u32 $0xD0000000, s2;
	s6 =	simm.s32 $0x108;
	_ =	swait.ge @!p0 [sflag:s8], $0x0  }
0x24: {  	s3 =	sadd.s32 $0x88, s3;
	s6 =	simm.s32 @!p1 $0x1082;
	[sflag:s4] =	ssyncset.s32 $0xFFFFF086  }
0x25: {  	[simem:s6], [sflag:s4] =	dma.local [hbm:s3], $0xF7A  }
0x26: {  	[smem:$0x3F9D] =	sst s1;
	(tag) =	ssettag s2;
	_ =	strace s9  }
0x27: {  	s1 =	sld [smem:$0x3FAD]  }
0x28: {  	s2 =	sld [smem:$0x3FAE]  }
0x29: {  	s4 =	sld [smem:$0x3FB0]  }
0x2a: {  	p0 =	seq.s32 s5, $0x0;
	s5 =	sld [smem:$0x3FB1]  }
0x2b: {  	s6 =	sld [smem:$0x3FB2]  }
0x2c: {  	s7 =	sld [smem:$0x3FB3]  }
0x2d: {  	s3 =	simm.s32 $0x108;
	s8 =	sld [smem:$0x3FB4]  }
0x2e: {  	s3 =	simm.s32 @!p0 $0x1082;
	s9 =	sld [smem:$0x3FB5]  }
0x2f: {  	lr =	sadd.s32 s0, s3;
	s0 =	sld [smem:$0x3FAC]  }
0x30: {  	s3 =	sld [smem:$0x3FAF]  }
0x31: {  	[smem:$0x3FB8] =	sst s10  }
0x32: {  	s10 =	sld [smem:$0x3FB6];
	_ =	sdelay $0x3  }
0x33: {  	p0 =	seq.s32 s10, $0x1;
	s10 =	sld [smem:$0x3FB8];
	_ =	sdelay $0x3  }
0x34: {  	[smem:$0x3FB8] =	sst s10  }
0x35: {  	s10 =	sld [smem:$0x3FB7];
	_ =	sdelay $0x3  }
0x36: {  	p1 =	seq.s32 s10, $0x1;
	s10 =	sld [smem:$0x3FB8];
	_ =	sdelay $0x3  }
0x37: {  	[smem:$0x3FB8] =	sst s10  }
0x38: {  	s10 =	sld [smem:$0x3FB9]  }
0x39: {  	_ = 	snop;
	(pc) =	sbr.ind lr, $3  }
0x3a: {  	_ = 	snop  }
0x3b: {  	_ = 	snop  }
0x3c: {  	p2 =	seq.s32 s10, $0x1;
	s10 =	sld [smem:$0x3FB8]  }
0x3d: {  	_ =	shalt  }
0x3e: {  	_ =	shalt  }
0x3f: {  	_ =	shalt  }
0x40: {  	_ =	shalt  }
0x41: {  	_ =	shalt  }
0x42: {  	_ =	shalt  }
0x43: {  	_ =	shalt  }
0x44: {  	_ =	shalt  }
0x45: {  	_ =	shalt  }
0x46: {  	_ =	shalt  }
0x47: {  	_ =	shalt  }
0x48: {  	_ =	shalt  }
0x49: {  	_ =	shalt  }
0x4a: {  	_ =	shalt  }
0x4b: {  	_ =	shalt  }
0x4c: {  	_ =	shalt  }
0x4d: {  	_ =	shalt  }
0x4e: {  	_ =	shalt  }
0x4f: {  	_ =	shalt  }
0x50: {  	_ =	shalt  }
0x51: {  	_ =	shalt  }
0x52: {  	_ =	shalt  }
0x53: {  	_ =	shalt  }
0x54: {  	_ =	shalt  }
0x55: {  	_ =	shalt  }
0x56: {  	_ =	shalt  }
0x57: {  	_ =	shalt  }
0x58: {  	_ =	shalt  }
0x59: {  	_ =	shalt  }
0x5a: {  	_ =	shalt  }
0x5b: {  	_ =	shalt  }
0x5c: {  	_ =	shalt  }
0x5d: {  	_ =	shalt  }
0x5e: {  	_ =	shalt  }
0x5f: {  	_ =	shalt  }
0x60: {  	_ =	shalt  }
0x61: {  	_ =	shalt  }
0x62: {  	_ =	shalt  }
0x63: {  	_ =	shalt  }
0x64: {  	_ =	shalt  }
0x65: {  	_ =	shalt  }
0x66: {  	_ =	shalt  }
0x67: {  	_ =	shalt  }
0x68: {  	_ =	shalt  }
0x69: {  	_ =	shalt  }
0x6a: {  	_ =	shalt  }
0x6b: {  	_ =	shalt  }
0x6c: {  	_ =	shalt  }
0x6d: {  	_ =	shalt  }
0x6e: {  	_ =	shalt  }
0x6f: {  	_ =	shalt  }
0x70: {  	_ =	shalt  }
0x71: {  	_ =	shalt  }
0x72: {  	_ =	shalt  }
0x73: {  	_ =	shalt  }
0x74: {  	_ =	shalt  }
0x75: {  	_ =	shalt  }
0x76: {  	_ =	shalt  }
0x77: {  	_ =	shalt  }
0x78: {  	_ =	shalt  }
0x79: {  	_ =	shalt  }
0x7a: {  	_ =	shalt  }
0x7b: {  	_ =	shalt  }
0x7c: {  	_ =	shalt  }
0x7d: {  	_ =	shalt  }
0x7e: {  	_ =	shalt  }
0x7f: {  	_ =	shalt  }
0x80: {  	_ =	shalt  }
0x81: {  	_ =	shalt  }
0x82: {  	_ =	shalt  }
0x83: {  	_ =	shalt  }
0x84: {  	_ =	shalt  }
0x85: {  	_ =	shalt  }
0x86: {  	_ =	shalt  }
0x87: {  	_ =	shalt  }
.Lfunc_end0:
.L_simem_size_0:
called_computation_lowered:
.L_overlay_start_0:
0x88: {  	s2 =	sld [smem:$0x3FD9]  }
0x89: {  	s3 =	sld [smem:$0x3FFE];
	_ =	sdelay $0x1  }
0x8a: {  	s1 =	srdreg.scid  }
0x8b: {  	s0 =	sand.u32 $0x1, s1  }
0x8c: {  	s14 =	sshll.u32 s0, $0xA;
	s2 =	sadd.s32 s3, s2  }
0x8d: {  	s2 =	sadd.s32 s2, s14  }
0x8e: {  	[smem:$0x3FC4] =	sst s2  }
0x8f: {  	_ = 	snop  }
0x90: {  	s2 =	sld [smem:$0x3FD0];
	_ =	sdelay $0x2  }
0x91: {  	s15 =	simm.s32 $0xA;
	s4 =	simm.s32 $0x10  }
0x92: {  	[smem:s4], [sflag:s15] =	dma.local [hbm:s2], $0x1  }
0x93: {  	_ =	swait.eq [sflag:s15], $0x1  }
0x94: {  	[sflag:s15] =	ssyncset.done $0x0  }
0x95: {  	[sflag:s15] =	ssyncadd.s32 $0xFFFFFFFF  }
0x96: {  	s16 =	sld [smem:$0x10];
	(tm) =	ssettm $0x1  }
0x97: {  	s17 =	sld [smem:$0x3FFB];
	_ =	sdelay $0x3  }
0x98: {  	_ =	strace s17  }
0x99: {  	s3 =	sld [smem:$0x3FFC];
	_ =	sdelay $0x3  }
0x9a: {  	_ =	strace s3  }
0x9b: {  	s3 =	sld [smem:$0x3FFD];
	_ =	sdelay $0x3  }
0x9c: {  	_ =	strace s3  }
0x9d: {  	_ =	strace $0x8FFFFFFF  }
0x9e: {  	s18 =	sld [smem:$0x3FDB];
	_ =	sdelay $0x1  }
0x9f: {  	s19 =	simm.s32 $_scs_section_size  }
0xa0: {  	s5 =	simm.s32 $_size__tile_overlayer_lowered;
	s6 =	simm.s32 $_tile_overlayer_lowered  }
0xa1: {  	s22 =	simm.s32 $0x1BFF;
	s21 =	sshll.u32 s6, $0x1;
	s3 =	sadd.s32 s19, s18  }
0xa2: {  	s7 =	simm.s32 $0x0;
	s20 =	sshll.u32 s5, $0x1;
	s5 =	sadd.s32 s21, s3  }
0xa3: {  	[timem:s7], [sflag:s22] =	dma.local [hbm:s5], s20  }
0xa4: {  	_ =	swait.ge [sflag:s22], s20  }
0xa5: {  	s4 =	ssub.s32 $0x0, s20;
	[sflag:s22] =	ssyncset.done $0x0  }
0xa6: {  	[sflag:s22] =	ssyncadd.s32 s4;
	_ =	sdelay $0x1  }
0xa7: {  	s23 =	simm.s32 $0x1B8B  }
0xa8: {  	_ =	swait.ge [sflag:s23], $0x1  }
0xa9: {  	[sflag:s23] =	ssyncset.done $0x0  }
0xaa: {  	s25 =	simm.s32 $0x1B8E;
	s24 =	sld [smem:$0x3FFE];
	[sflag:s23] =	ssyncadd.s32 $0xFFFFFFFF  }
0xab: {  	s26 =	simm.s32 $execute0_lowered;
	[smem:$0x3FD2] =	sst s25  }
0xac: {  	s5 =	sshll.u32 s26, $0x1;
	_ =	strace $0x80000046;
	[dreg:$0x1] =	wrdreg $0xFFFFFFFF  }
0xad: {  	s28 =	simm.s32 $_size_execute0_lowered;
	s3 =	sadd.s32 s3, s5;
	[dreg:$0x0] =	wrdreg $0x0  }
0xae: {  	s5 =	sshll.u32 s28, $0x1;
	[dreg:$0x2] =	wrdreg s3  }
0xaf: {  	[dreg:$0x3] =	wrdreg s5  }
0xb0: {  	[dreg:$0x4] =	wrdreg $0xC0  }
0xb1: {  	_ =	task [dreg:s7], $0x5FFFF  }
0xb2: {  	[dreg:$0x1] =	wrdreg $0xFFFFFFFF  }
0xb3: {  	[dreg:$0x0] =	wrdreg $0x60  }
0xb4: {  	[dreg:$0x2] =	wrdreg s16  }
0xb5: {  	[dreg:$0x3] =	wrdreg s24  }
0xb6: {  	[dreg:$0x4] =	wrdreg $0x0  }
0xb7: {  	[dreg:$0x5] =	wrdreg $0x9  }
0xb8: {  	_ =	task.clear_ibuf [dreg:s7], $0x6FFFF;
	_ =	strace $0x90000046  }
0xb9: {  	s29 =	simm.s32 $0x9;
	_ =	strace $0x80000048  }
0xba: {  	_ =	swait.ge [sflag:s29], $0x1  }
0xbb: {  	[sflag:s29] =	ssyncadd.s32 $0xFFFFFFFF  }
0xbc: {  	_ =	strace $0x90000048  }
0xbd: {  	_ =	sfence  }
0xbe: {  	s30 =	sld [smem:$0x0];
	_ =	sdelay $0x2  }
0xbf: {  	s31 =	sshll.u32 s1, $0xD;
	s1 =	sshrl.u32 s1, $0x2  }
0xc0: {  	s3 =	sand.u32 $0x4000, s31;
	s1 =	sadd.s32 s1, s30  }
0xc1: {  	s0 =	sor.u32 s3, s0;
	s1 =	sshll.u32 s1, $0x11  }
0xc2: {  	s0 =	sor.u32 s1, s0  }
0xc3: {  	s0 =	sadd.s32 $0x8F2B, s0  }
0xc4: {  	[sflag:s0] =	ssyncadd.remote.s32 $0x1  }
0xc5: {  	_ =	sfence.sel $0xFFFF  }
0xc6: {  	[dreg:$0x0] =	wrdreg $0xFFFFFFFF;
	(pc) =	sbr.abs _section_cstart, $3  }
0xc7: {  	[dreg:$0x1] =	wrdreg $0xFFFFFFFF  }
0xc8: {  	_ =	task.clear_ibuf [dreg:s7], $0x2FFFF;
	_ =	strace $0x9FFFFFFF  }
0xc9: {  	(tm) =	ssettm $0x7FFFFFFF  }
tec
execute0_lowered:
.L_overlay_start_1:
0x0: {  	(tag) =	ssettag $0x1  }
0x1: {  	s1 =	rddreg [dreg:$0x0]  }
0x2: {  	s4 =	rddreg [dreg:$0x1]  }
0x3: {  	s2 =	rddreg [dreg:$0x2]  }
0x4: {  	s0 =	rddreg [dreg:$0x3];
	s5 =	srdreg.scid  }
0x5: {  	s3 =	simm.s32 $0x0;
	s15 =	stileid.u32;
	s16 =	simm.s32 $0x1880  }
0x6: {  	s17 =	simm.s32 $0x1;
	s18 =	simm.s32 $0x1A080;
	s19 =	simm.s32 $0x1A100  }
0x7: {  	s20 =	simm.s32 $0x1A180;
	s21 =	simm.s32 $0x1A200;
	s22 =	simm.s32 $0x1A280  }
0x8: {  	s23 =	simm.s32 $0x1A300;
	s24 =	simm.s32 $0x1A380;
	s25 =	simm.s32 $0x1A400  }
0x9: {  	s26 =	simm.s32 $0x1A480;
	s5 =	sand.u32 $0x1, s5;
	[smem:$0x7FF] =	sst s3  }
0xa: {  	s6 =	sshll.u32 s15, $0x6;
	p0 =	sne.s32 s15, $0x0;
	s7 =	sshll.u32 s5, $0x5  }
0xb: {  	_ =	strace $0x80000047;
	s5 =	ssub.s32 $0x2, s5;
	s6 =	sor.u32 s7, s6  }
0xc: {  	s15 =	sshrl.u32 @!p0 s2, $0x3;
	s8 =	sshrl.u32 s5, $0x1;
	s7 =	sshrl.u32 s6, $0x3  }
0xd: {  	s6 =	sshll.u32 s6, $0x4;
	s14 =	ssub.s32 s5, s8;
	s11 =	sadd.s32 s7, s4  }
0xe: {  	v0 =	vlaneseq.u32;
	s13 =	sadd.s32 s6, s4;
	s14 =	smax.u32 s14, $0x1;
	s4 =	sadd.s32 $0xA00, s11  }
0xf: {  	v0 =	vmul.u32 $0x80, v0;
	s5 =	sadd.s32 $0xA80, s11;
	s6 =	sadd.s32 $0xB00, s11;
	s7 =	sadd.s32 $0xB80, s11  }
0x10: {  	s8 =	sadd.s32 $0xC00, s11;
	s9 =	sadd.s32 $0xC80, s11;
	s10 =	sadd.s32 $0xD00, s11  }
0x11: {  	v1 =	vimm.f32 $1.000000000e+00;
	v2 =	vor.u32 $0x800, v0;
	s11 =	sadd.s32 $0xD80, s11;
	s12 =	sadd.s32 $0xE00, s13;
	s13 =	sadd.s32 $0x4E00, s13  }
.LBB2_1:
0x12: {  	s28 =	simm.s32 @!p0 $0x1C01  }
0x13: {  	[spmem:s15], [sflag:s28] =	dma.local @!p0 [hbm:s1], $0x3100  }
0x14: {  	s28 =	simm.s32 @!p0 $0x1  }
0x15: {  	_ =	swait.ge @!p0 [sflag:s28], $0x3100  }
0x16: {  	[sflag:s28] =	ssyncset.done @!p0 $0x0  }
0x17: {  	[sflag:s28] =	ssyncadd.s32 @!p0 $0xFFFFCF00  }
0x18: {  	[bflag:$0x0] =	sbarrier.arrive $0xFFFF  }
0x19: {  	[tilespmem:s16], [sflag:$0x1] =	stream.linear.gather [spmem:s2], $0x18800, $0x38;
	[tilespmem:$0x1B480] =	vst v63  }
0x1a: {  	_ =	swait.ge [sflag:s17], $0x18800  }
0x1b: {  	[sflag:s17] =	ssyncset.done $0x0  }
0x1c: {  	[sflag:s17] =	ssyncadd.s32 $0xFFFE7800  }
0x1d: {  	[tilespmem:s18], [sflag:$0x1] =	stream.linear.gather [hbm4b:s4+s3], $0x20, $0x38;
	[tilespmem:$0x1B480] =	vst v63  }
0x1e: {  	_ =	swait.ge [sflag:s17], $0x20  }
0x1f: {  	[sflag:s17] =	ssyncset.done $0x0  }
0x20: {  	[sflag:s17] =	ssyncadd.s32 $0xFFFFFFE0  }
0x21: {  	[tilespmem:s19], [sflag:$0x1] =	stream.linear.gather [hbm4b:s5+s3], $0x20, $0x38;
	[tilespmem:$0x1B480] =	vst v63  }
0x22: {  	_ =	swait.ge [sflag:s17], $0x20  }
0x23: {  	[sflag:s17] =	ssyncset.done $0x0  }
0x24: {  	[sflag:s17] =	ssyncadd.s32 $0xFFFFFFE0  }
0x25: {  	[tilespmem:s20], [sflag:$0x1] =	stream.linear.gather [hbm4b:s6+s3], $0x20, $0x38;
	[tilespmem:$0x1B480] =	vst v63  }
0x26: {  	_ =	swait.ge [sflag:s17], $0x20  }
0x27: {  	[sflag:s17] =	ssyncset.done $0x0  }
0x28: {  	[sflag:s17] =	ssyncadd.s32 $0xFFFFFFE0  }
0x29: {  	[tilespmem:s21], [sflag:$0x1] =	stream.linear.gather [hbm4b:s7+s3], $0x20, $0x38;
	[tilespmem:$0x1B480] =	vst v63  }
0x2a: {  	_ =	swait.ge [sflag:s17], $0x20  }
0x2b: {  	[sflag:s17] =	ssyncset.done $0x0  }
0x2c: {  	[sflag:s17] =	ssyncadd.s32 $0xFFFFFFE0  }
0x2d: {  	[tilespmem:s22], [sflag:$0x1] =	stream.linear.gather [hbm4b:s8+s3], $0x20, $0x38;
	[tilespmem:$0x1B480] =	vst v63  }
0x2e: {  	_ =	swait.ge [sflag:s17], $0x20  }
0x2f: {  	[sflag:s17] =	ssyncset.done $0x0  }
0x30: {  	[sflag:s17] =	ssyncadd.s32 $0xFFFFFFE0  }
0x31: {  	[tilespmem:s23], [sflag:$0x1] =	stream.linear.gather [hbm4b:s9+s3], $0x20, $0x38;
	[tilespmem:$0x1B480] =	vst v63  }
0x32: {  	_ =	swait.ge [sflag:s17], $0x20  }
0x33: {  	[sflag:s17] =	ssyncset.done $0x0  }
0x34: {  	[sflag:s17] =	ssyncadd.s32 $0xFFFFFFE0  }
0x35: {  	[tilespmem:s24], [sflag:$0x1] =	stream.linear.gather [hbm4b:s10+s3], $0x20, $0x38;
	[tilespmem:$0x1B480] =	vst v63  }
0x36: {  	_ =	swait.ge [sflag:s17], $0x20  }
0x37: {  	[sflag:s17] =	ssyncset.done $0x0  }
0x38: {  	[sflag:s17] =	ssyncadd.s32 $0xFFFFFFE0  }
0x39: {  	[tilespmem:s25], [sflag:$0x1] =	stream.linear.gather [hbm4b:s11+s3], $0x20, $0x38;
	[tilespmem:$0x1B480] =	vst v63  }
0x3a: {  	_ =	swait.ge [sflag:s17], $0x20  }
0x3b: {  	[sflag:s17] =	ssyncset.done $0x0  }
0x3c: {  	[sflag:s17] =	ssyncadd.s32 $0xFFFFFFE0  }
0x3d: {  	[tilespmem:s26], [sflag:$0x1] =	stream.linear.gather [hbm4b:s12+s3], $0x1000, $0x38;
	[tilespmem:$0x1B480] =	vst v63  }
0x3e: {  	_ =	swait.ge [sflag:s17], $0x1000  }
0x3f: {  	[sflag:s17] =	ssyncset.done $0x0  }
0x40: {  	[sflag:s17] =	ssyncadd.s32 $0xFFFFF000  }
0x41: {  	v3 =	vld [tilespmem:$0x1A080]  }
0x42: {  	v4 =	vld [tilespmem:$0x1A100]  }
0x43: {  	v5 =	vld [tilespmem:$0x1A180]  }
0x44: {  	v6 =	vld [tilespmem:$0x1A200]  }
0x45: {  	v7 =	vld [tilespmem:$0x1A280]  }
0x46: {  	v8 =	vld [tilespmem:$0x1A300]  }
0x47: {  	v9 =	vld [tilespmem:$0x1A380]  }
0x48: {  	v10 =	vld [tilespmem:$0x1A400]  }
0x49: {  	v3 =	vld.idx.msk [tilespmem:v3+s16+$0x0], $0xffff  }
0x4a: {  	v4 =	vld.idx.msk [tilespmem:v4+s16+$0x0], $0xffff  }
0x4b: {  	v5 =	vld.idx.msk [tilespmem:v5+s16+$0x0], $0xffff  }
0x4c: {  	v6 =	vld.idx.msk [tilespmem:v6+s16+$0x0], $0xffff  }
0x4d: {  	v7 =	vld.idx.msk [tilespmem:v7+s16+$0x0], $0xffff  }
0x4e: {  	v8 =	vld.idx.msk [tilespmem:v8+s16+$0x0], $0xffff  }
0x4f: {  	v53 =	vld.idx.msk [tilespmem:v9+s16+$0x0], $0xffff;
	v3 =	vadd.s32 v3, v4  }
0x50: {  	v54 =	vld.idx.msk [tilespmem:v10+s16+$0x0], $0xffff;
	v3 =	vadd.s32 v5, v3  }
0x51: {  	v3 =	vadd.s32 v6, v3  }
0x52: {  	v3 =	vadd.s32 v7, v3  }
0x53: {  	v3 =	vadd.s32 v8, v3  }
0x54: {  	v3 =	vadd.s32 v53, v3  }
0x55: {  	v3 =	vadd.s32 v54, v3  }
0x56: {  	v3 =	vshra.s32 v3, $0x3  }
0x57: {  	v3 =	vadd.s32 v0, v3;
	_ =	sdelay $0x4  }
0x58: {  	[tilespmem:v3+s26+$0x0] =	vst.idx.msk $0xffff, v1  }
0x59: {  	v3 =	vld [tilespmem:$0x1A090]  }
0x5a: {  	v55 =	vld [tilespmem:$0x1A110]  }
0x5b: {  	v56 =	vld [tilespmem:$0x1A190]  }
0x5c: {  	v57 =	vld [tilespmem:$0x1A210]  }
0x5d: {  	v58 =	vld [tilespmem:$0x1A290]  }
0x5e: {  	v59 =	vld [tilespmem:$0x1A310]  }
0x5f: {  	v60 =	vld [tilespmem:$0x1A390]  }
0x60: {  	v61 =	vld [tilespmem:$0x1A410]  }
0x61: {  	v3 =	vld.idx.msk [tilespmem:v3+s16+$0x0], $0xffff  }
0x62: {  	v4 =	vld.idx.msk [tilespmem:v55+s16+$0x0], $0xffff  }
0x63: {  	v5 =	vld.idx.msk [tilespmem:v56+s16+$0x0], $0xffff  }
0x64: {  	v6 =	vld.idx.msk [tilespmem:v57+s16+$0x0], $0xffff  }
0x65: {  	v7 =	vld.idx.msk [tilespmem:v58+s16+$0x0], $0xffff  }
0x66: {  	v8 =	vld.idx.msk [tilespmem:v59+s16+$0x0], $0xffff  }
0x67: {  	v62 =	vld.idx.msk [tilespmem:v60+s16+$0x0], $0xffff;
	v3 =	vadd.s32 v3, v4  }
0x68: {  	v63 =	vld.idx.msk [tilespmem:v61+s16+$0x0], $0xffff;
	v3 =	vadd.s32 v5, v3  }
0x69: {  	v3 =	vadd.s32 v6, v3  }
0x6a: {  	v3 =	vadd.s32 v7, v3  }
0x6b: {  	v3 =	vadd.s32 v8, v3  }
0x6c: {  	v3 =	vadd.s32 v62, v3  }
0x6d: {  	v3 =	vadd.s32 v63, v3  }
0x6e: {  	v3 =	vshra.s32 v3, $0x3  }
0x6f: {  	v3 =	vadd.s32 v2, v3;
	_ =	sdelay $0x2  }
0x70: {  	s14 =	sadd.s32 $0xFFFFFFFF, s14  }
0x71: {  	p1 =	sne.s32 s14, $0x0  }
.Ltmp0:
0x72: {  	[tilespmem:v3+s26+$0x0] =	vst.idx.msk $0xffff, v1;
	(pc) =	sbr.rel @p1 .LBB2_1-.Ltmp0, $4  }
0x73: {  	[hbm4b:s13+s3] =	stream.linear.scatter [tilespmem:s26], [sflag:$0x1], $0x1000, $0x38;
	[tilespmem:$0x1B480] =	vst v63  }
0x74: {  	_ =	swait.ge [sflag:s17], $0x1000  }
0x75: {  	[sflag:s17] =	ssyncset.done $0x0  }
0x76: {  	[sflag:s17] =	ssyncadd.s32 $0xFFFFF000  }
0x77: {  	_ =	sfence.sel $0x180000  }
0x78: {  	[bflag:$0x0] =	sbarrier.arrive $0xFFFF  }
0x79: {  	_ =	strace $0x90000047  }
0x7a: {  	s0 =	sadd.s32 @!p0 $0x100000, s0;
	[bflag:$0x2] =	sbarrier.arrive $0xFFFF  }
0x7b: {  	[sflag:s0] =	ssyncadd.tile.s32 @!p0 $0x1;
	_ =	shalt  }
.Lfunc_end2:
_tile_overlayer_lowered:
.L_overlay_start_2:
0x7c: {  	(tag) =	ssettag $0x2  }
0x7d: {  	s0 =	rddreg [dreg:$0x0];
	s2 =	stileid.u32  }
0x7e: {  	s1 =	rddreg [dreg:$0x1];
	p0 =	sne.s32 s2, $0x0  }
0x7f: {  	s3 =	rddreg [dreg:$0x2];
	[bflag:$0x3] =	sbarrier.arrive $0xFFFF;
	s2 =	simm.s32 @!p0 $0x1C01  }
0x80: {  	[timem:s3], [sflag:s2] =	dma.local @!p0 [hbm:s0], s1  }
0x81: {  	s0 =	simm.s32 @!p0 $0x1  }
0x82: {  	_ =	swait.ge @!p0 [sflag:s0], s1  }
0x83: {  	s1 =	ssub.s32 @!p0 $0x0, s1;
	[sflag:s0] =	ssyncset.done @!p0 $0x0  }
0x84: {  	[sflag:s0] =	ssyncadd.s32 @!p0 s1  }
0x85: {  	[bflag:$0x3] =	sbarrier.arrive $0xFFFF  }
0x86: {  	_ =	shalt  }

</sc_bundles>
